<compile_context>
chip_gen: v7x
topology: tpu7x:2x2x1
jax: 0.10.2.dev20260603
libtpu: 0.0.44.dev20260713+nightly
codegen_flags: <defaults>
</compile_context>

<pallas_src>
import functools

import numpy as np
import jax
import jax.numpy as jnp
from jax import lax
from jax.experimental import pallas as pl
from jax.experimental.pallas import tpu as pltpu
from jax.experimental.pallas import tpu_sc as plsc

_D = 64
_S = 200
_BT = 128
_PW = 129


def _pos_encoding_np(max_pos: int, d: int) -> np.ndarray:
    pos = np.arange(max_pos)[:, None].astype(np.float32)
    i = np.arange(d)[None, :]
    rates = 1.0 / np.power(10000.0, 2 * (i // 2) / np.float32(d))
    ang = pos * rates
    ang[:, 0::2] = np.sin(ang[:, 0::2])
    ang[:, 1::2] = np.cos(ang[:, 1::2])
    return ang.astype(np.float32)


_PE = _pos_encoding_np(256, _D)[:_S]


def kernel(x_in, table):
    B, S = x_in.shape
    D = table.shape[1]
    info = plsc.get_sparse_core_info()
    NC, NS = info.num_cores, info.num_subcores
    NW = NC * NS
    assert B == NW * _BT

    idxT = x_in.astype(jnp.int32).T.reshape(S, NW, _BT).transpose(1, 0, 2)
    pe = jnp.asarray(_PE)

    mesh = plsc.VectorSubcoreMesh(core_axis_name="c", subcore_axis_name="s")

    @functools.partial(
        pl.kernel,
        mesh=mesh,
        out_type=jax.ShapeDtypeStruct((S, D, B), jnp.float32),
        scratch_types=[
            pltpu.VMEM((S, _BT), jnp.int32),
            pltpu.VMEM((S, D), jnp.float32),
            pltpu.VMEM((4, _BT, D), jnp.float32),
            pltpu.VMEM((4, D, _PW), jnp.float32),
        ] + [pltpu.SemaphoreType.DMA] * 8,
        compiler_params=pltpu.CompilerParams(
            use_tc_tiling_on_sc=False, needs_layout_passes=False),
    )
    def run(idx_hbm, table_hbm, pe_hbm, out_hbm, idx_v, pe_v, gbuf, tbuf,
            *sems):
        gsem = sems[:4]
        osem = sems[4:]
        wid = lax.axis_index("s") * NC + lax.axis_index("c")
        pltpu.sync_copy(idx_hbm.at[wid], idx_v)
        pltpu.sync_copy(pe_hbm, pe_v)
        b0 = wid * _BT

        def issue_gather(s, b):
            pltpu.async_copy(table_hbm.at[idx_v.at[s]], gbuf.at[b], gsem[b])

        def drain_g(b):
            pltpu.make_async_copy(
                table_hbm.at[pl.ds(0, _BT)], gbuf.at[b], gsem[b]).wait()

        def drain_o(b):
            pltpu.make_async_copy(
                out_hbm.at[0, :, pl.ds(0, _BT)],
                tbuf.at[b, :, pl.ds(0, _BT)], osem[b]).wait()

        issue_gather(0, 0)
        issue_gather(1, 1)
        lanes = lax.broadcasted_iota(jnp.int32, (16,), 0)
        dvecs = [k * 16 + lanes for k in range(_D // 16)]

        @pl.loop(0, S, step=4)
        def _(ss):
            for b in range(4):
                s = ss + b
                b2 = (b + 2) % 4

                drain_g(b)

                @pl.when(s + 2 < S)
                def _():
                    @pl.when(s >= 2)
                    def _():
                        drain_o(b2)
                    issue_gather(s + 2, b2)

                peks = [pe_v[s, pl.ds(k * 16, 16)] for k in range(_D // 16)]

                @plsc.parallel_loop(0, _BT, unroll=2)
                def _(i):
                    ivec = jnp.broadcast_to(i, (16,)).astype(jnp.int32)
                    for k in range(_D // 16):
                        vals = gbuf[b, i, pl.ds(k * 16, 16)] + peks[k]
                        plsc.store_scatter(tbuf.at[b], [dvecs[k], ivec], vals)

                pltpu.async_copy(
                    tbuf.at[b, :, pl.ds(0, _BT)],
                    out_hbm.at[s, :, pl.ds(b0, _BT)], osem[b])

        for b in range(4):
            drain_o(b)

    out = run(idxT, table, pe)
    return jnp.transpose(out, (2, 0, 1))

# --- scband reference (transcript-rebuilt; emitter-appended) ---
"""Pipeline reference for scband-chords-embedder-21242908246300 (READ-ONLY COPY).

The authoritative reference and input builder live on the scoring server;
editing this copy changes nothing except your own understanding.
"""

import jax, jax.numpy as jnp
import numpy as np

CHORDS_POOL_SIZE = 100000
MAX_POS = 256
EMBED_DIM = 64
BATCH = 4096
SEQ_LEN = 200


def get_angles(pos, i, embed_dim):
    angle_rates = 1 / np.power(10000, 2 * (i // 2) / np.float32(embed_dim))
    return pos * angle_rates


def positional_encoding(max_pos, embed_dim):
    angle_rads = get_angles(np.arange(max_pos)[:, np.newaxis],
                            np.arange(embed_dim)[np.newaxis, :],
                            embed_dim)
    angle_rads[:, 0::2] = np.sin(angle_rads[:, 0::2])
    angle_rads[:, 1::2] = np.cos(angle_rads[:, 1::2])
    pos_encoding = angle_rads[np.newaxis, ...]
    return jnp.asarray(pos_encoding, dtype=jnp.float32)


def setup_inputs(seed: int = 0) -> dict:
    key = jax.random.key(seed)
    k1, k2 = jax.random.split(key)
    x_in = jax.random.randint(k1, (BATCH, SEQ_LEN), 0, CHORDS_POOL_SIZE, dtype=jnp.int64) if jax.config.jax_enable_x64 else jax.random.randint(k1, (BATCH, SEQ_LEN), 0, CHORDS_POOL_SIZE, dtype=jnp.int32)
    table = jax.random.normal(k2, (CHORDS_POOL_SIZE, EMBED_DIM), dtype=jnp.float32) * 0.05
    return {"x_in": x_in, "table": table}


def reference(x_in, table):
    # Embedding lookup
    chords_emb = jnp.take(table, x_in, axis=0)  # [B, S, D]
    # Positional encoding (max_pos is not None)
    pos_emb = positional_encoding(MAX_POS, EMBED_DIM)  # [1, MAX_POS, D]
    chords_emb = chords_emb + pos_emb[:, :x_in.shape[1], :]
    # Dropout layer called without training=True -> identity at inference
    return chords_emb

if __name__ == "__main__":
    import jax
    _d = setup_inputs()
    print(jax.jit(kernel)(*tuple(_d.values())))

</pallas_src>

<mosaic_0001>
#map = affine_map<(d0, d1) -> (0, 0, 0)>
#map1 = affine_map<(d0, d1) -> (0, 0)>
module attributes {stable_mosaic.version = 14 : i64} {
  func.func @run(%arg0: i32, %arg1: i32, %arg2: memref<32x200x128xi32, #tpu.memory_space<hbm>>, %arg3: memref<100000x64xf32, #tpu.memory_space<hbm>>, %arg4: memref<200x64xf32, #tpu.memory_space<hbm>>, %arg5: memref<200x64x4096xf32, #tpu.memory_space<hbm>>, %arg6: memref<200x128xi32, #tpu.memory_space<vmem>>, %arg7: memref<200x64xf32, #tpu.memory_space<vmem>>, %arg8: memref<4x128x64xf32, #tpu.memory_space<vmem>>, %arg9: memref<4x64x129xf32, #tpu.memory_space<vmem>>, %arg10: memref<!tpu.dma_semaphore, #tpu.memory_space<semaphore_mem>>, %arg11: memref<!tpu.dma_semaphore, #tpu.memory_space<semaphore_mem>>, %arg12: memref<!tpu.dma_semaphore, #tpu.memory_space<semaphore_mem>>, %arg13: memref<!tpu.dma_semaphore, #tpu.memory_space<semaphore_mem>>, %arg14: memref<!tpu.dma_semaphore, #tpu.memory_space<semaphore_mem>>, %arg15: memref<!tpu.dma_semaphore, #tpu.memory_space<semaphore_mem>>, %arg16: memref<!tpu.dma_semaphore, #tpu.memory_space<semaphore_mem>>, %arg17: memref<!tpu.dma_semaphore, #tpu.memory_space<semaphore_mem>>) attributes {dimension_semantics = [#tpu.dimension_semantics<core_parallel>, #tpu.dimension_semantics<subcore_parallel>], iteration_bounds = array<i64: 2, 16>, scalar_prefetch = 0 : i64, scratch_operands = 12 : i64, tpu.core_type = #tpu.core_type<sc_vector_subcore>, window_params = [{transform_indices = #map}, {transform_indices = #map1}, {transform_indices = #map1}, {transform_indices = #map}]} {
    %mul3A = arith.constant 2 : i32
    %mul3A_0 = arith.muli %arg1, %mul3A : i32
    %add3A = arith.addi %mul3A_0, %arg0 : i32
    "tpu.region"() ({
      %run_scoped3A = tpu.sem_alloc : memref<!tpu.dma_semaphore, #tpu.memory_space<semaphore_mem>>
      %dma_start3A_113 = arith.constant 0 : i32
      %dma_start3A_114 = arith.constant 0 : i32
      %dma_start3A_115 = tpu.memref_slice %arg2[%add3A, %dma_start3A_113, %dma_start3A_114] : memref<32x200x128xi32, #tpu.memory_space<hbm>> -> memref<1x200x128xi32, #tpu.memory_space<hbm>>
      %dma_start3A_116 = tpu.memref_squeeze %dma_start3A_115 : memref<1x200x128xi32, #tpu.memory_space<hbm>> -> memref<200x128xi32, #tpu.memory_space<hbm>>
      %dma_start3A_117 = arith.constant 0 : i32
      %dma_start3A_118 = arith.constant 0 : i32
      %dma_start3A_119 = tpu.memref_slice %arg2[%add3A, %dma_start3A_117, %dma_start3A_118] : memref<32x200x128xi32, #tpu.memory_space<hbm>> -> memref<1x200x128xi32, #tpu.memory_space<hbm>>
      %dma_start3A_120 = tpu.memref_squeeze %dma_start3A_119 : memref<1x200x128xi32, #tpu.memory_space<hbm>> -> memref<200x128xi32, #tpu.memory_space<hbm>>
      tpu.enqueue_dma source(%dma_start3A_120 : memref<200x128xi32, #tpu.memory_space<hbm>>) target(%arg6 : memref<200x128xi32, #tpu.memory_space<vmem>>) target_semaphore(%run_scoped3A : memref<!tpu.dma_semaphore, #tpu.memory_space<semaphore_mem>>)
      %dma_wait3A_121 = arith.constant 0 : i32
      %dma_wait3A_122 = arith.constant 0 : i32
      %dma_wait3A_123 = tpu.memref_slice %arg2[%add3A, %dma_wait3A_121, %dma_wait3A_122] : memref<32x200x128xi32, #tpu.memory_space<hbm>> -> memref<1x200x128xi32, #tpu.memory_space<hbm>>
      %dma_wait3A_124 = tpu.memref_squeeze %dma_wait3A_123 : memref<1x200x128xi32, #tpu.memory_space<hbm>> -> memref<200x128xi32, #tpu.memory_space<hbm>>
      %dma_wait3A_125 = arith.constant 0 : i32
      %dma_wait3A_126 = arith.constant 0 : i32
      %dma_wait3A_127 = tpu.memref_slice %arg2[%add3A, %dma_wait3A_125, %dma_wait3A_126] : memref<32x200x128xi32, #tpu.memory_space<hbm>> -> memref<1x200x128xi32, #tpu.memory_space<hbm>>
      %dma_wait3A_128 = tpu.memref_squeeze %dma_wait3A_127 : memref<1x200x128xi32, #tpu.memory_space<hbm>> -> memref<200x128xi32, #tpu.memory_space<hbm>>
      tpu.wait_dma2 semaphore(%run_scoped3A : memref<!tpu.dma_semaphore, #tpu.memory_space<semaphore_mem>>) src(%dma_wait3A_128 : memref<200x128xi32, #tpu.memory_space<hbm>>) dst(%arg6 : memref<200x128xi32, #tpu.memory_space<vmem>>)
      tpu.yield
    }) : () -> ()
    "tpu.region"() ({
      %run_scoped3A = tpu.sem_alloc : memref<!tpu.dma_semaphore, #tpu.memory_space<semaphore_mem>>
      tpu.enqueue_dma source(%arg4 : memref<200x64xf32, #tpu.memory_space<hbm>>) target(%arg7 : memref<200x64xf32, #tpu.memory_space<vmem>>) target_semaphore(%run_scoped3A : memref<!tpu.dma_semaphore, #tpu.memory_space<semaphore_mem>>)
      tpu.wait_dma2 semaphore(%run_scoped3A : memref<!tpu.dma_semaphore, #tpu.memory_space<semaphore_mem>>) src(%arg4 : memref<200x64xf32, #tpu.memory_space<hbm>>) dst(%arg7 : memref<200x64xf32, #tpu.memory_space<vmem>>)
      tpu.yield
    }) : () -> ()
    %mul3A_1 = arith.constant 128 : i32
    %mul3A_2 = arith.muli %add3A, %mul3A_1 : i32
    %dma_start3A = arith.constant 0 : i32
    %dma_start3A_3 = arith.constant 0 : i32
    %dma_start3A_4 = arith.constant 0 : i32
    %dma_start3A_5 = arith.constant 0 : i32
    %dma_start3A_6 = tpu.memref_slice %arg8[%dma_start3A_3, %dma_start3A_4, %dma_start3A_5] : memref<4x128x64xf32, #tpu.memory_space<vmem>> -> memref<1x128x64xf32, #tpu.memory_space<vmem>>
    %dma_start3A_7 = tpu.memref_squeeze %dma_start3A_6 : memref<1x128x64xf32, #tpu.memory_space<vmem>> -> memref<128x64xf32, #tpu.memory_space<vmem>>
    %dma_start3A_8 = arith.constant 0 : i32
    %dma_start3A_9 = tpu.memref_slice %arg6[%dma_start3A, %dma_start3A_8] : memref<200x128xi32, #tpu.memory_space<vmem>> -> memref<1x128xi32, #tpu.memory_space<vmem>>
    %dma_start3A_10 = tpu.memref_squeeze %dma_start3A_9 : memref<1x128xi32, #tpu.memory_space<vmem>> -> memref<128xi32, #tpu.memory_space<vmem>>
    %dma_start3A_11 = arith.constant 0 : i32
    %dma_start3A_12 = arith.constant 0 : i32
    %dma_start3A_13 = tpu.memref_slice %arg3[%dma_start3A_11, %dma_start3A_12] : memref<100000x64xf32, #tpu.memory_space<hbm>> -> memref<100000x64xf32, #tpu.memory_space<hbm>>
    tpu.enqueue_indirect_dma source(%dma_start3A_13 : memref<100000x64xf32, #tpu.memory_space<hbm>>) target(%dma_start3A_7 : memref<128x64xf32, #tpu.memory_space<vmem>>) offsets(%dma_start3A_10 : memref<128xi32, #tpu.memory_space<vmem>>) semaphore(%arg10 : memref<!tpu.dma_semaphore, #tpu.memory_space<semaphore_mem>>)
    %dma_start3A_14 = arith.constant 1 : i32
    %dma_start3A_15 = arith.constant 1 : i32
    %dma_start3A_16 = arith.constant 0 : i32
    %dma_start3A_17 = arith.constant 0 : i32
    %dma_start3A_18 = tpu.memref_slice %arg8[%dma_start3A_15, %dma_start3A_16, %dma_start3A_17] : memref<4x128x64xf32, #tpu.memory_space<vmem>> -> memref<1x128x64xf32, #tpu.memory_space<vmem>>
    %dma_start3A_19 = tpu.memref_squeeze %dma_start3A_18 : memref<1x128x64xf32, #tpu.memory_space<vmem>> -> memref<128x64xf32, #tpu.memory_space<vmem>>
    %dma_start3A_20 = arith.constant 0 : i32
    %dma_start3A_21 = tpu.memref_slice %arg6[%dma_start3A_14, %dma_start3A_20] : memref<200x128xi32, #tpu.memory_space<vmem>> -> memref<1x128xi32, #tpu.memory_space<vmem>>
    %dma_start3A_22 = tpu.memref_squeeze %dma_start3A_21 : memref<1x128xi32, #tpu.memory_space<vmem>> -> memref<128xi32, #tpu.memory_space<vmem>>
    %dma_start3A_23 = arith.constant 0 : i32
    %dma_start3A_24 = arith.constant 0 : i32
    %dma_start3A_25 = tpu.memref_slice %arg3[%dma_start3A_23, %dma_start3A_24] : memref<100000x64xf32, #tpu.memory_space<hbm>> -> memref<100000x64xf32, #tpu.memory_space<hbm>>
    tpu.enqueue_indirect_dma source(%dma_start3A_25 : memref<100000x64xf32, #tpu.memory_space<hbm>>) target(%dma_start3A_19 : memref<128x64xf32, #tpu.memory_space<vmem>>) offsets(%dma_start3A_22 : memref<128xi32, #tpu.memory_space<vmem>>) semaphore(%arg11 : memref<!tpu.dma_semaphore, #tpu.memory_space<semaphore_mem>>)
    %iota3A = tpu.iota {dimensions = array<i32: 0>} : vector<16xi32>
    %add3A_26 = arith.constant 0 : i32
    %add3A_27 = vector.broadcast %add3A_26 : i32 to vector<16xi32>
    %add3A_28 = arith.addi %add3A_27, %iota3A : vector<16xi32>
    %add3A_29 = arith.constant 16 : i32
    %add3A_30 = vector.broadcast %add3A_29 : i32 to vector<16xi32>
    %add3A_31 = arith.addi %add3A_30, %iota3A : vector<16xi32>
    %add3A_32 = arith.constant 32 : i32
    %add3A_33 = vector.broadcast %add3A_32 : i32 to vector<16xi32>
    %add3A_34 = arith.addi %add3A_33, %iota3A : vector<16xi32>
    %add3A_35 = arith.constant 48 : i32
    %add3A_36 = vector.broadcast %add3A_35 : i32 to vector<16xi32>
    %add3A_37 = arith.addi %add3A_36, %iota3A : vector<16xi32>
    %scan3A = arith.constant 0 : i32
    %scan3A_38 = arith.constant 50 : i32
    %scan3A_39 = arith.addi %scan3A, %scan3A_38 : i32
    %scan3A_40 = arith.constant 1 : i32
    scf.for %scan3A_113 = %scan3A to %scan3A_39 step %scan3A_40  : i32 {
      %mul3A_114 = arith.constant 4 : i32
      %mul3A_115 = arith.muli %scan3A_113, %mul3A_114 : i32
      %add3A_116 = arith.constant 0 : i32
      %add3A_117 = arith.addi %add3A_116, %mul3A_115 : i32
      %add3A_118 = arith.constant 0 : i32
      %add3A_119 = arith.addi %add3A_117, %add3A_118 : i32
      %dma_wait3A_120 = arith.constant 0 : i32
      %dma_wait3A_121 = arith.constant 0 : i32
      %dma_wait3A_122 = arith.constant 0 : i32
      %dma_wait3A_123 = tpu.memref_slice %arg8[%dma_wait3A_120, %dma_wait3A_121, %dma_wait3A_122] : memref<4x128x64xf32, #tpu.memory_space<vmem>> -> memref<1x128x64xf32, #tpu.memory_space<vmem>>
      %dma_wait3A_124 = tpu.memref_squeeze %dma_wait3A_123 : memref<1x128x64xf32, #tpu.memory_space<vmem>> -> memref<128x64xf32, #tpu.memory_space<vmem>>
      %dma_wait3A_125 = arith.constant 0 : i32
      %dma_wait3A_126 = arith.constant 0 : i32
      %dma_wait3A_127 = tpu.memref_slice %arg3[%dma_wait3A_125, %dma_wait3A_126] : memref<100000x64xf32, #tpu.memory_space<hbm>> -> memref<128x64xf32, #tpu.memory_space<hbm>>
      %dma_wait3A_128 = arith.constant 0 : i32
      %dma_wait3A_129 = arith.constant 0 : i32
      %dma_wait3A_130 = tpu.memref_slice %arg8[%dma_wait3A_120, %dma_wait3A_128, %dma_wait3A_129] : memref<4x128x64xf32, #tpu.memory_space<vmem>> -> memref<1x128x64xf32, #tpu.memory_space<vmem>>
      %dma_wait3A_131 = tpu.memref_squeeze %dma_wait3A_130 : memref<1x128x64xf32, #tpu.memory_space<vmem>> -> memref<128x64xf32, #tpu.memory_space<vmem>>
      %dma_wait3A_132 = arith.constant 0 : i32
      %dma_wait3A_133 = arith.constant 0 : i32
      %dma_wait3A_134 = tpu.memref_slice %arg3[%dma_wait3A_132, %dma_wait3A_133] : memref<100000x64xf32, #tpu.memory_space<hbm>> -> memref<128x64xf32, #tpu.memory_space<hbm>>
      tpu.wait_dma2 semaphore(%arg10 : memref<!tpu.dma_semaphore, #tpu.memory_space<semaphore_mem>>) src(%dma_wait3A_134 : memref<128x64xf32, #tpu.memory_space<hbm>>) dst(%dma_wait3A_131 : memref<128x64xf32, #tpu.memory_space<vmem>>)
      %add3A_135 = arith.constant 2 : i32
      %add3A_136 = arith.addi %add3A_119, %add3A_135 : i32
      %lt3A = arith.constant 200 : i32
      %lt3A_137 = arith.cmpi slt, %add3A_136, %lt3A : i32
      %convert_element_type3A = arith.extui %lt3A_137 : i1 to i32
      %cond3A = arith.constant 0 : i32
      %cond3A_138 = arith.cmpi ne, %convert_element_type3A, %cond3A : i32
      scf.if %cond3A_138 {
        %ge3A = arith.constant 2 : i32
        %ge3A_329 = arith.cmpi sge, %add3A_119, %ge3A : i32
        %convert_element_type3A_330 = arith.extui %ge3A_329 : i1 to i32
        %cond3A_331 = arith.constant 0 : i32
        %cond3A_332 = arith.cmpi ne, %convert_element_type3A_330, %cond3A_331 : i32
        scf.if %cond3A_332 {
          %dma_wait3A_346 = arith.constant 0 : i32
          %dma_wait3A_347 = arith.constant 2 : i32
          %dma_wait3A_348 = arith.constant 0 : i32
          %dma_wait3A_349 = arith.constant 0 : i32
          %dma_wait3A_350 = tpu.memref_slice %arg9[%dma_wait3A_347, %dma_wait3A_348, %dma_wait3A_349] : memref<4x64x129xf32, #tpu.memory_space<vmem>> -> memref<1x64x128xf32, #tpu.memory_space<vmem>>
          %dma_wait3A_351 = tpu.memref_squeeze %dma_wait3A_350 : memref<1x64x128xf32, #tpu.memory_space<vmem>> -> memref<64x128xf32, #tpu.memory_space<vmem>>
          %dma_wait3A_352 = arith.constant 0 : i32
          %dma_wait3A_353 = arith.constant 0 : i32
          %dma_wait3A_354 = tpu.memref_slice %arg5[%dma_wait3A_346, %dma_wait3A_352, %dma_wait3A_353] : memref<200x64x4096xf32, #tpu.memory_space<hbm>> -> memref<1x64x128xf32, #tpu.memory_space<hbm>>
          %dma_wait3A_355 = tpu.memref_squeeze %dma_wait3A_354 : memref<1x64x128xf32, #tpu.memory_space<hbm>> -> memref<64x128xf32, #tpu.memory_space<hbm>>
          %dma_wait3A_356 = arith.constant 0 : i32
          %dma_wait3A_357 = arith.constant 0 : i32
          %dma_wait3A_358 = tpu.memref_slice %arg9[%dma_wait3A_347, %dma_wait3A_356, %dma_wait3A_357] : memref<4x64x129xf32, #tpu.memory_space<vmem>> -> memref<1x64x128xf32, #tpu.memory_space<vmem>>
          %dma_wait3A_359 = tpu.memref_squeeze %dma_wait3A_358 : memref<1x64x128xf32, #tpu.memory_space<vmem>> -> memref<64x128xf32, #tpu.memory_space<vmem>>
          %dma_wait3A_360 = arith.constant 0 : i32
          %dma_wait3A_361 = arith.constant 0 : i32
          %dma_wait3A_362 = tpu.memref_slice %arg5[%dma_wait3A_346, %dma_wait3A_360, %dma_wait3A_361] : memref<200x64x4096xf32, #tpu.memory_space<hbm>> -> memref<1x64x128xf32, #tpu.memory_space<hbm>>
          %dma_wait3A_363 = tpu.memref_squeeze %dma_wait3A_362 : memref<1x64x128xf32, #tpu.memory_space<hbm>> -> memref<64x128xf32, #tpu.memory_space<hbm>>
          tpu.wait_dma2 semaphore(%arg16 : memref<!tpu.dma_semaphore, #tpu.memory_space<semaphore_mem>>) src(%dma_wait3A_363 : memref<64x128xf32, #tpu.memory_space<hbm>>) dst(%dma_wait3A_359 : memref<64x128xf32, #tpu.memory_space<vmem>>)
        } else {
        }
        %add3A_333 = arith.constant 2 : i32
        %add3A_334 = arith.addi %add3A_119, %add3A_333 : i32
        %dma_start3A_335 = arith.constant 2 : i32
        %dma_start3A_336 = arith.constant 0 : i32
        %dma_start3A_337 = arith.constant 0 : i32
        %dma_start3A_338 = tpu.memref_slice %arg8[%dma_start3A_335, %dma_start3A_336, %dma_start3A_337] : memref<4x128x64xf32, #tpu.memory_space<vmem>> -> memref<1x128x64xf32, #tpu.memory_space<vmem>>
        %dma_start3A_339 = tpu.memref_squeeze %dma_start3A_338 : memref<1x128x64xf32, #tpu.memory_space<vmem>> -> memref<128x64xf32, #tpu.memory_space<vmem>>
        %dma_start3A_340 = arith.constant 0 : i32
        %dma_start3A_341 = tpu.memref_slice %arg6[%add3A_334, %dma_start3A_340] : memref<200x128xi32, #tpu.memory_space<vmem>> -> memref<1x128xi32, #tpu.memory_space<vmem>>
        %dma_start3A_342 = tpu.memref_squeeze %dma_start3A_341 : memref<1x128xi32, #tpu.memory_space<vmem>> -> memref<128xi32, #tpu.memory_space<vmem>>
        %dma_start3A_343 = arith.constant 0 : i32
        %dma_start3A_344 = arith.constant 0 : i32
        %dma_start3A_345 = tpu.memref_slice %arg3[%dma_start3A_343, %dma_start3A_344] : memref<100000x64xf32, #tpu.memory_space<hbm>> -> memref<100000x64xf32, #tpu.memory_space<hbm>>
        tpu.enqueue_indirect_dma source(%dma_start3A_345 : memref<100000x64xf32, #tpu.memory_space<hbm>>) target(%dma_start3A_339 : memref<128x64xf32, #tpu.memory_space<vmem>>) offsets(%dma_start3A_342 : memref<128xi32, #tpu.memory_space<vmem>>) semaphore(%arg12 : memref<!tpu.dma_semaphore, #tpu.memory_space<semaphore_mem>>)
      } else {
      }
      %get3A = arith.index_cast %add3A_119 : i32 to index
      %get3A_139 = arith.constant 0 : index
      %get3A_140 = tpu.vector_load %arg7[%get3A, %get3A_139] {strides = array<i32>} : memref<200x64xf32, #tpu.memory_space<vmem>>, vector<16xf32>,
      %get3A_141 = arith.index_cast %add3A_119 : i32 to index
      %get3A_142 = arith.constant 16 : index
      %get3A_143 = tpu.vector_load %arg7[%get3A_141, %get3A_142] {strides = array<i32>} : memref<200x64xf32, #tpu.memory_space<vmem>>, vector<16xf32>,
      %get3A_144 = arith.index_cast %add3A_119 : i32 to index
      %get3A_145 = arith.constant 32 : index
      %get3A_146 = tpu.vector_load %arg7[%get3A_144, %get3A_145] {strides = array<i32>} : memref<200x64xf32, #tpu.memory_space<vmem>>, vector<16xf32>,
      %get3A_147 = arith.index_cast %add3A_119 : i32 to index
      %get3A_148 = arith.constant 48 : index
      %get3A_149 = tpu.vector_load %arg7[%get3A_147, %get3A_148] {strides = array<i32>} : memref<200x64xf32, #tpu.memory_space<vmem>>, vector<16xf32>,
      %parallel_loop3A = arith.constant 0 : i32
      %parallel_loop3A_150 = arith.constant 128 : i32
      %parallel_loop3A_151 = arith.constant 1 : i32
      scf.for %parallel_loop3A_329 = %parallel_loop3A to %parallel_loop3A_150 step %parallel_loop3A_151  : i32 {
        %parallel_loop3A_330 = vector.broadcast %parallel_loop3A_329 : i32 to vector<16xi32>
        %parallel_loop3A_331 = arith.constant 0 : i32
        %parallel_loop3A_332 = arith.index_cast %parallel_loop3A_331 : i32 to index
        %parallel_loop3A_333 = arith.index_cast %parallel_loop3A_329 : i32 to index
        %parallel_loop3A_334 = arith.constant 0 : index
        %parallel_loop3A_335 = tpu.vector_load %arg8[%parallel_loop3A_332, %parallel_loop3A_333, %parallel_loop3A_334] {strides = array<i32>} : memref<4x128x64xf32, #tpu.memory_space<vmem>>, vector<16xf32>,
        %parallel_loop3A_336 = arith.addf %parallel_loop3A_335, %get3A_140 : vector<16xf32>
        %parallel_loop3A_337 = arith.constant 0 : i32
        %parallel_loop3A_338 = arith.constant 0 : i32
        %parallel_loop3A_339 = arith.constant 0 : i32
        %parallel_loop3A_340 = tpu.memref_slice %arg9[%parallel_loop3A_337, %parallel_loop3A_338, %parallel_loop3A_339] : memref<4x64x129xf32, #tpu.memory_space<vmem>> -> memref<1x64x129xf32, #tpu.memory_space<vmem>>
        %parallel_loop3A_341 = tpu.memref_squeeze %parallel_loop3A_340 : memref<1x64x129xf32, #tpu.memory_space<vmem>> -> memref<64x129xf32, #tpu.memory_space<vmem>>
        tpu.vector_store_idx %parallel_loop3A_341[%add3A_28, %parallel_loop3A_330], %parallel_loop3A_336 : memref<64x129xf32, #tpu.memory_space<vmem>>[vector<16xi32>, vector<16xi32>], vector<16xf32>,
        %parallel_loop3A_342 = arith.constant 0 : i32
        %parallel_loop3A_343 = arith.index_cast %parallel_loop3A_342 : i32 to index
        %parallel_loop3A_344 = arith.index_cast %parallel_loop3A_329 : i32 to index
        %parallel_loop3A_345 = arith.constant 16 : index
        %parallel_loop3A_346 = tpu.vector_load %arg8[%parallel_loop3A_343, %parallel_loop3A_344, %parallel_loop3A_345] {strides = array<i32>} : memref<4x128x64xf32, #tpu.memory_space<vmem>>, vector<16xf32>,
        %parallel_loop3A_347 = arith.addf %parallel_loop3A_346, %get3A_143 : vector<16xf32>
        %parallel_loop3A_348 = arith.constant 0 : i32
        %parallel_loop3A_349 = arith.constant 0 : i32
        %parallel_loop3A_350 = arith.constant 0 : i32
        %parallel_loop3A_351 = tpu.memref_slice %arg9[%parallel_loop3A_348, %parallel_loop3A_349, %parallel_loop3A_350] : memref<4x64x129xf32, #tpu.memory_space<vmem>> -> memref<1x64x129xf32, #tpu.memory_space<vmem>>
        %parallel_loop3A_352 = tpu.memref_squeeze %parallel_loop3A_351 : memref<1x64x129xf32, #tpu.memory_space<vmem>> -> memref<64x129xf32, #tpu.memory_space<vmem>>
        tpu.vector_store_idx %parallel_loop3A_352[%add3A_31, %parallel_loop3A_330], %parallel_loop3A_347 : memref<64x129xf32, #tpu.memory_space<vmem>>[vector<16xi32>, vector<16xi32>], vector<16xf32>,
        %parallel_loop3A_353 = arith.constant 0 : i32
        %parallel_loop3A_354 = arith.index_cast %parallel_loop3A_353 : i32 to index
        %parallel_loop3A_355 = arith.index_cast %parallel_loop3A_329 : i32 to index
        %parallel_loop3A_356 = arith.constant 32 : index
        %parallel_loop3A_357 = tpu.vector_load %arg8[%parallel_loop3A_354, %parallel_loop3A_355, %parallel_loop3A_356] {strides = array<i32>} : memref<4x128x64xf32, #tpu.memory_space<vmem>>, vector<16xf32>,
        %parallel_loop3A_358 = arith.addf %parallel_loop3A_357, %get3A_146 : vector<16xf32>
        %parallel_loop3A_359 = arith.constant 0 : i32
        %parallel_loop3A_360 = arith.constant 0 : i32
        %parallel_loop3A_361 = arith.constant 0 : i32
        %parallel_loop3A_362 = tpu.memref_slice %arg9[%parallel_loop3A_359, %parallel_loop3A_360, %parallel_loop3A_361] : memref<4x64x129xf32, #tpu.memory_space<vmem>> -> memref<1x64x129xf32, #tpu.memory_space<vmem>>
        %parallel_loop3A_363 = tpu.memref_squeeze %parallel_loop3A_362 : memref<1x64x129xf32, #tpu.memory_space<vmem>> -> memref<64x129xf32, #tpu.memory_space<vmem>>
        tpu.vector_store_idx %parallel_loop3A_363[%add3A_34, %parallel_loop3A_330], %parallel_loop3A_358 : memref<64x129xf32, #tpu.memory_space<vmem>>[vector<16xi32>, vector<16xi32>], vector<16xf32>,
        %parallel_loop3A_364 = arith.constant 0 : i32
        %parallel_loop3A_365 = arith.index_cast %parallel_loop3A_364 : i32 to index
        %parallel_loop3A_366 = arith.index_cast %parallel_loop3A_329 : i32 to index
        %parallel_loop3A_367 = arith.constant 48 : index
        %parallel_loop3A_368 = tpu.vector_load %arg8[%parallel_loop3A_365, %parallel_loop3A_366, %parallel_loop3A_367] {strides = array<i32>} : memref<4x128x64xf32, #tpu.memory_space<vmem>>, vector<16xf32>,
        %parallel_loop3A_369 = arith.addf %parallel_loop3A_368, %get3A_149 : vector<16xf32>
        %parallel_loop3A_370 = arith.constant 0 : i32
        %parallel_loop3A_371 = arith.constant 0 : i32
        %parallel_loop3A_372 = arith.constant 0 : i32
        %parallel_loop3A_373 = tpu.memref_slice %arg9[%parallel_loop3A_370, %parallel_loop3A_371, %parallel_loop3A_372] : memref<4x64x129xf32, #tpu.memory_space<vmem>> -> memref<1x64x129xf32, #tpu.memory_space<vmem>>
        %parallel_loop3A_374 = tpu.memref_squeeze %parallel_loop3A_373 : memref<1x64x129xf32, #tpu.memory_space<vmem>> -> memref<64x129xf32, #tpu.memory_space<vmem>>
        tpu.vector_store_idx %parallel_loop3A_374[%add3A_37, %parallel_loop3A_330], %parallel_loop3A_369 : memref<64x129xf32, #tpu.memory_space<vmem>>[vector<16xi32>, vector<16xi32>], vector<16xf32>,
      } {sc.loop_unroll_factor = 2 : i64, sc.parallel_access}
      %dma_start3A_152 = arith.constant 0 : i32
      %dma_start3A_153 = arith.constant 0 : i32
      %dma_start3A_154 = arith.constant 0 : i32
      %dma_start3A_155 = tpu.memref_slice %arg9[%dma_start3A_152, %dma_start3A_153, %dma_start3A_154] : memref<4x64x129xf32, #tpu.memory_space<vmem>> -> memref<1x64x128xf32, #tpu.memory_space<vmem>>
      %dma_start3A_156 = tpu.memref_squeeze %dma_start3A_155 : memref<1x64x128xf32, #tpu.memory_space<vmem>> -> memref<64x128xf32, #tpu.memory_space<vmem>>
      %dma_start3A_157 = arith.constant 0 : i32
      %dma_start3A_158 = tpu.memref_slice %arg5[%add3A_119, %dma_start3A_157, %mul3A_2] : memref<200x64x4096xf32, #tpu.memory_space<hbm>> -> memref<1x64x128xf32, #tpu.memory_space<hbm>>
      %dma_start3A_159 = tpu.memref_squeeze %dma_start3A_158 : memref<1x64x128xf32, #tpu.memory_space<hbm>> -> memref<64x128xf32, #tpu.memory_space<hbm>>
      %dma_start3A_160 = arith.constant 0 : i32
      %dma_start3A_161 = tpu.memref_slice %arg5[%add3A_119, %dma_start3A_160, %mul3A_2] : memref<200x64x4096xf32, #tpu.memory_space<hbm>> -> memref<1x64x128xf32, #tpu.memory_space<hbm>>
      %dma_start3A_162 = tpu.memref_squeeze %dma_start3A_161 : memref<1x64x128xf32, #tpu.memory_space<hbm>> -> memref<64x128xf32, #tpu.memory_space<hbm>>
      %dma_start3A_163 = arith.constant 0 : i32
      %dma_start3A_164 = arith.constant 0 : i32
      %dma_start3A_165 = tpu.memref_slice %arg9[%dma_start3A_152, %dma_start3A_163, %dma_start3A_164] : memref<4x64x129xf32, #tpu.memory_space<vmem>> -> memref<1x64x128xf32, #tpu.memory_space<vmem>>
      %dma_start3A_166 = tpu.memref_squeeze %dma_start3A_165 : memref<1x64x128xf32, #tpu.memory_space<vmem>> -> memref<64x128xf32, #tpu.memory_space<vmem>>
      tpu.enqueue_dma source(%dma_start3A_166 : memref<64x128xf32, #tpu.memory_space<vmem>>) target(%dma_start3A_162 : memref<64x128xf32, #tpu.memory_space<hbm>>) target_semaphore(%arg14 : memref<!tpu.dma_semaphore, #tpu.memory_space<semaphore_mem>>)
      %add3A_167 = arith.constant 1 : i32
      %add3A_168 = arith.addi %add3A_117, %add3A_167 : i32
      %dma_wait3A_169 = arith.constant 1 : i32
      %dma_wait3A_170 = arith.constant 0 : i32
      %dma_wait3A_171 = arith.constant 0 : i32
      %dma_wait3A_172 = tpu.memref_slice %arg8[%dma_wait3A_169, %dma_wait3A_170, %dma_wait3A_171] : memref<4x128x64xf32, #tpu.memory_space<vmem>> -> memref<1x128x64xf32, #tpu.memory_space<vmem>>
      %dma_wait3A_173 = tpu.memref_squeeze %dma_wait3A_172 : memref<1x128x64xf32, #tpu.memory_space<vmem>> -> memref<128x64xf32, #tpu.memory_space<vmem>>
      %dma_wait3A_174 = arith.constant 0 : i32
      %dma_wait3A_175 = arith.constant 0 : i32
      %dma_wait3A_176 = tpu.memref_slice %arg3[%dma_wait3A_174, %dma_wait3A_175] : memref<100000x64xf32, #tpu.memory_space<hbm>> -> memref<128x64xf32, #tpu.memory_space<hbm>>
      %dma_wait3A_177 = arith.constant 0 : i32
      %dma_wait3A_178 = arith.constant 0 : i32
      %dma_wait3A_179 = tpu.memref_slice %arg8[%dma_wait3A_169, %dma_wait3A_177, %dma_wait3A_178] : memref<4x128x64xf32, #tpu.memory_space<vmem>> -> memref<1x128x64xf32, #tpu.memory_space<vmem>>
      %dma_wait3A_180 = tpu.memref_squeeze %dma_wait3A_179 : memref<1x128x64xf32, #tpu.memory_space<vmem>> -> memref<128x64xf32, #tpu.memory_space<vmem>>
      %dma_wait3A_181 = arith.constant 0 : i32
      %dma_wait3A_182 = arith.constant 0 : i32
      %dma_wait3A_183 = tpu.memref_slice %arg3[%dma_wait3A_181, %dma_wait3A_182] : memref<100000x64xf32, #tpu.memory_space<hbm>> -> memref<128x64xf32, #tpu.memory_space<hbm>>
      tpu.wait_dma2 semaphore(%arg11 : memref<!tpu.dma_semaphore, #tpu.memory_space<semaphore_mem>>) src(%dma_wait3A_183 : memref<128x64xf32, #tpu.memory_space<hbm>>) dst(%dma_wait3A_180 : memref<128x64xf32, #tpu.memory_space<vmem>>)
      %add3A_184 = arith.constant 2 : i32
      %add3A_185 = arith.addi %add3A_168, %add3A_184 : i32
      %lt3A_186 = arith.constant 200 : i32
      %lt3A_187 = arith.cmpi slt, %add3A_185, %lt3A_186 : i32
      %convert_element_type3A_188 = arith.extui %lt3A_187 : i1 to i32
      %cond3A_189 = arith.constant 0 : i32
      %cond3A_190 = arith.cmpi ne, %convert_element_type3A_188, %cond3A_189 : i32
      scf.if %cond3A_190 {
        %ge3A = arith.constant 2 : i32
        %ge3A_329 = arith.cmpi sge, %add3A_168, %ge3A : i32
        %convert_element_type3A_330 = arith.extui %ge3A_329 : i1 to i32
        %cond3A_331 = arith.constant 0 : i32
        %cond3A_332 = arith.cmpi ne, %convert_element_type3A_330, %cond3A_331 : i32
        scf.if %cond3A_332 {
          %dma_wait3A_346 = arith.constant 0 : i32
          %dma_wait3A_347 = arith.constant 3 : i32
          %dma_wait3A_348 = arith.constant 0 : i32
          %dma_wait3A_349 = arith.constant 0 : i32
          %dma_wait3A_350 = tpu.memref_slice %arg9[%dma_wait3A_347, %dma_wait3A_348, %dma_wait3A_349] : memref<4x64x129xf32, #tpu.memory_space<vmem>> -> memref<1x64x128xf32, #tpu.memory_space<vmem>>
          %dma_wait3A_351 = tpu.memref_squeeze %dma_wait3A_350 : memref<1x64x128xf32, #tpu.memory_space<vmem>> -> memref<64x128xf32, #tpu.memory_space<vmem>>
          %dma_wait3A_352 = arith.constant 0 : i32
          %dma_wait3A_353 = arith.constant 0 : i32
          %dma_wait3A_354 = tpu.memref_slice %arg5[%dma_wait3A_346, %dma_wait3A_352, %dma_wait3A_353] : memref<200x64x4096xf32, #tpu.memory_space<hbm>> -> memref<1x64x128xf32, #tpu.memory_space<hbm>>
          %dma_wait3A_355 = tpu.memref_squeeze %dma_wait3A_354 : memref<1x64x128xf32, #tpu.memory_space<hbm>> -> memref<64x128xf32, #tpu.memory_space<hbm>>
          %dma_wait3A_356 = arith.constant 0 : i32
          %dma_wait3A_357 = arith.constant 0 : i32
          %dma_wait3A_358 = tpu.memref_slice %arg9[%dma_wait3A_347, %dma_wait3A_356, %dma_wait3A_357] : memref<4x64x129xf32, #tpu.memory_space<vmem>> -> memref<1x64x128xf32, #tpu.memory_space<vmem>>
          %dma_wait3A_359 = tpu.memref_squeeze %dma_wait3A_358 : memref<1x64x128xf32, #tpu.memory_space<vmem>> -> memref<64x128xf32, #tpu.memory_space<vmem>>
          %dma_wait3A_360 = arith.constant 0 : i32
          %dma_wait3A_361 = arith.constant 0 : i32
          %dma_wait3A_362 = tpu.memref_slice %arg5[%dma_wait3A_346, %dma_wait3A_360, %dma_wait3A_361] : memref<200x64x4096xf32, #tpu.memory_space<hbm>> -> memref<1x64x128xf32, #tpu.memory_space<hbm>>
          %dma_wait3A_363 = tpu.memref_squeeze %dma_wait3A_362 : memref<1x64x128xf32, #tpu.memory_space<hbm>> -> memref<64x128xf32, #tpu.memory_space<hbm>>
          tpu.wait_dma2 semaphore(%arg17 : memref<!tpu.dma_semaphore, #tpu.memory_space<semaphore_mem>>) src(%dma_wait3A_363 : memref<64x128xf32, #tpu.memory_space<hbm>>) dst(%dma_wait3A_359 : memref<64x128xf32, #tpu.memory_space<vmem>>)
        } else {
        }
        %add3A_333 = arith.constant 2 : i32
        %add3A_334 = arith.addi %add3A_168, %add3A_333 : i32
        %dma_start3A_335 = arith.constant 3 : i32
        %dma_start3A_336 = arith.constant 0 : i32
        %dma_start3A_337 = arith.constant 0 : i32
        %dma_start3A_338 = tpu.memref_slice %arg8[%dma_start3A_335, %dma_start3A_336, %dma_start3A_337] : memref<4x128x64xf32, #tpu.memory_space<vmem>> -> memref<1x128x64xf32, #tpu.memory_space<vmem>>
        %dma_start3A_339 = tpu.memref_squeeze %dma_start3A_338 : memref<1x128x64xf32, #tpu.memory_space<vmem>> -> memref<128x64xf32, #tpu.memory_space<vmem>>
        %dma_start3A_340 = arith.constant 0 : i32
        %dma_start3A_341 = tpu.memref_slice %arg6[%add3A_334, %dma_start3A_340] : memref<200x128xi32, #tpu.memory_space<vmem>> -> memref<1x128xi32, #tpu.memory_space<vmem>>
        %dma_start3A_342 = tpu.memref_squeeze %dma_start3A_341 : memref<1x128xi32, #tpu.memory_space<vmem>> -> memref<128xi32, #tpu.memory_space<vmem>>
        %dma_start3A_343 = arith.constant 0 : i32
        %dma_start3A_344 = arith.constant 0 : i32
        %dma_start3A_345 = tpu.memref_slice %arg3[%dma_start3A_343, %dma_start3A_344] : memref<100000x64xf32, #tpu.memory_space<hbm>> -> memref<100000x64xf32, #tpu.memory_space<hbm>>
        tpu.enqueue_indirect_dma source(%dma_start3A_345 : memref<100000x64xf32, #tpu.memory_space<hbm>>) target(%dma_start3A_339 : memref<128x64xf32, #tpu.memory_space<vmem>>) offsets(%dma_start3A_342 : memref<128xi32, #tpu.memory_space<vmem>>) semaphore(%arg13 : memref<!tpu.dma_semaphore, #tpu.memory_space<semaphore_mem>>)
      } else {
      }
      %get3A_191 = arith.index_cast %add3A_168 : i32 to index
      %get3A_192 = arith.constant 0 : index
      %get3A_193 = tpu.vector_load %arg7[%get3A_191, %get3A_192] {strides = array<i32>} : memref<200x64xf32, #tpu.memory_space<vmem>>, vector<16xf32>,
      %get3A_194 = arith.index_cast %add3A_168 : i32 to index
      %get3A_195 = arith.constant 16 : index
      %get3A_196 = tpu.vector_load %arg7[%get3A_194, %get3A_195] {strides = array<i32>} : memref<200x64xf32, #tpu.memory_space<vmem>>, vector<16xf32>,
      %get3A_197 = arith.index_cast %add3A_168 : i32 to index
      %get3A_198 = arith.constant 32 : index
      %get3A_199 = tpu.vector_load %arg7[%get3A_197, %get3A_198] {strides = array<i32>} : memref<200x64xf32, #tpu.memory_space<vmem>>, vector<16xf32>,
      %get3A_200 = arith.index_cast %add3A_168 : i32 to index
      %get3A_201 = arith.constant 48 : index
      %get3A_202 = tpu.vector_load %arg7[%get3A_200, %get3A_201] {strides = array<i32>} : memref<200x64xf32, #tpu.memory_space<vmem>>, vector<16xf32>,
      %parallel_loop3A_203 = arith.constant 0 : i32
      %parallel_loop3A_204 = arith.constant 128 : i32
      %parallel_loop3A_205 = arith.constant 1 : i32
      scf.for %parallel_loop3A_329 = %parallel_loop3A_203 to %parallel_loop3A_204 step %parallel_loop3A_205  : i32 {
        %parallel_loop3A_330 = vector.broadcast %parallel_loop3A_329 : i32 to vector<16xi32>
        %parallel_loop3A_331 = arith.constant 1 : i32
        %parallel_loop3A_332 = arith.index_cast %parallel_loop3A_331 : i32 to index
        %parallel_loop3A_333 = arith.index_cast %parallel_loop3A_329 : i32 to index
        %parallel_loop3A_334 = arith.constant 0 : index
        %parallel_loop3A_335 = tpu.vector_load %arg8[%parallel_loop3A_332, %parallel_loop3A_333, %parallel_loop3A_334] {strides = array<i32>} : memref<4x128x64xf32, #tpu.memory_space<vmem>>, vector<16xf32>,
        %parallel_loop3A_336 = arith.addf %parallel_loop3A_335, %get3A_193 : vector<16xf32>
        %parallel_loop3A_337 = arith.constant 1 : i32
        %parallel_loop3A_338 = arith.constant 0 : i32
        %parallel_loop3A_339 = arith.constant 0 : i32
        %parallel_loop3A_340 = tpu.memref_slice %arg9[%parallel_loop3A_337, %parallel_loop3A_338, %parallel_loop3A_339] : memref<4x64x129xf32, #tpu.memory_space<vmem>> -> memref<1x64x129xf32, #tpu.memory_space<vmem>>
        %parallel_loop3A_341 = tpu.memref_squeeze %parallel_loop3A_340 : memref<1x64x129xf32, #tpu.memory_space<vmem>> -> memref<64x129xf32, #tpu.memory_space<vmem>>
        tpu.vector_store_idx %parallel_loop3A_341[%add3A_28, %parallel_loop3A_330], %parallel_loop3A_336 : memref<64x129xf32, #tpu.memory_space<vmem>>[vector<16xi32>, vector<16xi32>], vector<16xf32>,
        %parallel_loop3A_342 = arith.constant 1 : i32
        %parallel_loop3A_343 = arith.index_cast %parallel_loop3A_342 : i32 to index
        %parallel_loop3A_344 = arith.index_cast %parallel_loop3A_329 : i32 to index
        %parallel_loop3A_345 = arith.constant 16 : index
        %parallel_loop3A_346 = tpu.vector_load %arg8[%parallel_loop3A_343, %parallel_loop3A_344, %parallel_loop3A_345] {strides = array<i32>} : memref<4x128x64xf32, #tpu.memory_space<vmem>>, vector<16xf32>,
        %parallel_loop3A_347 = arith.addf %parallel_loop3A_346, %get3A_196 : vector<16xf32>
        %parallel_loop3A_348 = arith.constant 1 : i32
        %parallel_loop3A_349 = arith.constant 0 : i32
        %parallel_loop3A_350 = arith.constant 0 : i32
        %parallel_loop3A_351 = tpu.memref_slice %arg9[%parallel_loop3A_348, %parallel_loop3A_349, %parallel_loop3A_350] : memref<4x64x129xf32, #tpu.memory_space<vmem>> -> memref<1x64x129xf32, #tpu.memory_space<vmem>>
        %parallel_loop3A_352 = tpu.memref_squeeze %parallel_loop3A_351 : memref<1x64x129xf32, #tpu.memory_space<vmem>> -> memref<64x129xf32, #tpu.memory_space<vmem>>
        tpu.vector_store_idx %parallel_loop3A_352[%add3A_31, %parallel_loop3A_330], %parallel_loop3A_347 : memref<64x129xf32, #tpu.memory_space<vmem>>[vector<16xi32>, vector<16xi32>], vector<16xf32>,
        %parallel_loop3A_353 = arith.constant 1 : i32
        %parallel_loop3A_354 = arith.index_cast %parallel_loop3A_353 : i32 to index
        %parallel_loop3A_355 = arith.index_cast %parallel_loop3A_329 : i32 to index
        %parallel_loop3A_356 = arith.constant 32 : index
        %parallel_loop3A_357 = tpu.vector_load %arg8[%parallel_loop3A_354, %parallel_loop3A_355, %parallel_loop3A_356] {strides = array<i32>} : memref<4x128x64xf32, #tpu.memory_space<vmem>>, vector<16xf32>,
        %parallel_loop3A_358 = arith.addf %parallel_loop3A_357, %get3A_199 : vector<16xf32>
        %parallel_loop3A_359 = arith.constant 1 : i32
        %parallel_loop3A_360 = arith.constant 0 : i32
        %parallel_loop3A_361 = arith.constant 0 : i32
        %parallel_loop3A_362 = tpu.memref_slice %arg9[%parallel_loop3A_359, %parallel_loop3A_360, %parallel_loop3A_361] : memref<4x64x129xf32, #tpu.memory_space<vmem>> -> memref<1x64x129xf32, #tpu.memory_space<vmem>>
        %parallel_loop3A_363 = tpu.memref_squeeze %parallel_loop3A_362 : memref<1x64x129xf32, #tpu.memory_space<vmem>> -> memref<64x129xf32, #tpu.memory_space<vmem>>
        tpu.vector_store_idx %parallel_loop3A_363[%add3A_34, %parallel_loop3A_330], %parallel_loop3A_358 : memref<64x129xf32, #tpu.memory_space<vmem>>[vector<16xi32>, vector<16xi32>], vector<16xf32>,
        %parallel_loop3A_364 = arith.constant 1 : i32
        %parallel_loop3A_365 = arith.index_cast %parallel_loop3A_364 : i32 to index
        %parallel_loop3A_366 = arith.index_cast %parallel_loop3A_329 : i32 to index
        %parallel_loop3A_367 = arith.constant 48 : index
        %parallel_loop3A_368 = tpu.vector_load %arg8[%parallel_loop3A_365, %parallel_loop3A_366, %parallel_loop3A_367] {strides = array<i32>} : memref<4x128x64xf32, #tpu.memory_space<vmem>>, vector<16xf32>,
        %parallel_loop3A_369 = arith.addf %parallel_loop3A_368, %get3A_202 : vector<16xf32>
        %parallel_loop3A_370 = arith.constant 1 : i32
        %parallel_loop3A_371 = arith.constant 0 : i32
        %parallel_loop3A_372 = arith.constant 0 : i32
        %parallel_loop3A_373 = tpu.memref_slice %arg9[%parallel_loop3A_370, %parallel_loop3A_371, %parallel_loop3A_372] : memref<4x64x129xf32, #tpu.memory_space<vmem>> -> memref<1x64x129xf32, #tpu.memory_space<vmem>>
        %parallel_loop3A_374 = tpu.memref_squeeze %parallel_loop3A_373 : memref<1x64x129xf32, #tpu.memory_space<vmem>> -> memref<64x129xf32, #tpu.memory_space<vmem>>
        tpu.vector_store_idx %parallel_loop3A_374[%add3A_37, %parallel_loop3A_330], %parallel_loop3A_369 : memref<64x129xf32, #tpu.memory_space<vmem>>[vector<16xi32>, vector<16xi32>], vector<16xf32>,
      } {sc.loop_unroll_factor = 2 : i64, sc.parallel_access}
      %dma_start3A_206 = arith.constant 1 : i32
      %dma_start3A_207 = arith.constant 0 : i32
      %dma_start3A_208 = arith.constant 0 : i32
      %dma_start3A_209 = tpu.memref_slice %arg9[%dma_start3A_206, %dma_start3A_207, %dma_start3A_208] : memref<4x64x129xf32, #tpu.memory_space<vmem>> -> memref<1x64x128xf32, #tpu.memory_space<vmem>>
      %dma_start3A_210 = tpu.memref_squeeze %dma_start3A_209 : memref<1x64x128xf32, #tpu.memory_space<vmem>> -> memref<64x128xf32, #tpu.memory_space<vmem>>
      %dma_start3A_211 = arith.constant 0 : i32
      %dma_start3A_212 = tpu.memref_slice %arg5[%add3A_168, %dma_start3A_211, %mul3A_2] : memref<200x64x4096xf32, #tpu.memory_space<hbm>> -> memref<1x64x128xf32, #tpu.memory_space<hbm>>
      %dma_start3A_213 = tpu.memref_squeeze %dma_start3A_212 : memref<1x64x128xf32, #tpu.memory_space<hbm>> -> memref<64x128xf32, #tpu.memory_space<hbm>>
      %dma_start3A_214 = arith.constant 0 : i32
      %dma_start3A_215 = tpu.memref_slice %arg5[%add3A_168, %dma_start3A_214, %mul3A_2] : memref<200x64x4096xf32, #tpu.memory_space<hbm>> -> memref<1x64x128xf32, #tpu.memory_space<hbm>>
      %dma_start3A_216 = tpu.memref_squeeze %dma_start3A_215 : memref<1x64x128xf32, #tpu.memory_space<hbm>> -> memref<64x128xf32, #tpu.memory_space<hbm>>
      %dma_start3A_217 = arith.constant 0 : i32
      %dma_start3A_218 = arith.constant 0 : i32
      %dma_start3A_219 = tpu.memref_slice %arg9[%dma_start3A_206, %dma_start3A_217, %dma_start3A_218] : memref<4x64x129xf32, #tpu.memory_space<vmem>> -> memref<1x64x128xf32, #tpu.memory_space<vmem>>
      %dma_start3A_220 = tpu.memref_squeeze %dma_start3A_219 : memref<1x64x128xf32, #tpu.memory_space<vmem>> -> memref<64x128xf32, #tpu.memory_space<vmem>>
      tpu.enqueue_dma source(%dma_start3A_220 : memref<64x128xf32, #tpu.memory_space<vmem>>) target(%dma_start3A_216 : memref<64x128xf32, #tpu.memory_space<hbm>>) target_semaphore(%arg15 : memref<!tpu.dma_semaphore, #tpu.memory_space<semaphore_mem>>)
      %add3A_221 = arith.constant 2 : i32
      %add3A_222 = arith.addi %add3A_117, %add3A_221 : i32
      %dma_wait3A_223 = arith.constant 2 : i32
      %dma_wait3A_224 = arith.constant 0 : i32
      %dma_wait3A_225 = arith.constant 0 : i32
      %dma_wait3A_226 = tpu.memref_slice %arg8[%dma_wait3A_223, %dma_wait3A_224, %dma_wait3A_225] : memref<4x128x64xf32, #tpu.memory_space<vmem>> -> memref<1x128x64xf32, #tpu.memory_space<vmem>>
      %dma_wait3A_227 = tpu.memref_squeeze %dma_wait3A_226 : memref<1x128x64xf32, #tpu.memory_space<vmem>> -> memref<128x64xf32, #tpu.memory_space<vmem>>
      %dma_wait3A_228 = arith.constant 0 : i32
      %dma_wait3A_229 = arith.constant 0 : i32
      %dma_wait3A_230 = tpu.memref_slice %arg3[%dma_wait3A_228, %dma_wait3A_229] : memref<100000x64xf32, #tpu.memory_space<hbm>> -> memref<128x64xf32, #tpu.memory_space<hbm>>
      %dma_wait3A_231 = arith.constant 0 : i32
      %dma_wait3A_232 = arith.constant 0 : i32
      %dma_wait3A_233 = tpu.memref_slice %arg8[%dma_wait3A_223, %dma_wait3A_231, %dma_wait3A_232] : memref<4x128x64xf32, #tpu.memory_space<vmem>> -> memref<1x128x64xf32, #tpu.memory_space<vmem>>
      %dma_wait3A_234 = tpu.memref_squeeze %dma_wait3A_233 : memref<1x128x64xf32, #tpu.memory_space<vmem>> -> memref<128x64xf32, #tpu.memory_space<vmem>>
      %dma_wait3A_235 = arith.constant 0 : i32
      %dma_wait3A_236 = arith.constant 0 : i32
      %dma_wait3A_237 = tpu.memref_slice %arg3[%dma_wait3A_235, %dma_wait3A_236] : memref<100000x64xf32, #tpu.memory_space<hbm>> -> memref<128x64xf32, #tpu.memory_space<hbm>>
      tpu.wait_dma2 semaphore(%arg12 : memref<!tpu.dma_semaphore, #tpu.memory_space<semaphore_mem>>) src(%dma_wait3A_237 : memref<128x64xf32, #tpu.memory_space<hbm>>) dst(%dma_wait3A_234 : memref<128x64xf32, #tpu.memory_space<vmem>>)
      %add3A_238 = arith.constant 2 : i32
      %add3A_239 = arith.addi %add3A_222, %add3A_238 : i32
      %lt3A_240 = arith.constant 200 : i32
      %lt3A_241 = arith.cmpi slt, %add3A_239, %lt3A_240 : i32
      %convert_element_type3A_242 = arith.extui %lt3A_241 : i1 to i32
      %cond3A_243 = arith.constant 0 : i32
      %cond3A_244 = arith.cmpi ne, %convert_element_type3A_242, %cond3A_243 : i32
      scf.if %cond3A_244 {
        %ge3A = arith.constant 2 : i32
        %ge3A_329 = arith.cmpi sge, %add3A_222, %ge3A : i32
        %convert_element_type3A_330 = arith.extui %ge3A_329 : i1 to i32
        %cond3A_331 = arith.constant 0 : i32
        %cond3A_332 = arith.cmpi ne, %convert_element_type3A_330, %cond3A_331 : i32
        scf.if %cond3A_332 {
          %dma_wait3A_346 = arith.constant 0 : i32
          %dma_wait3A_347 = arith.constant 0 : i32
          %dma_wait3A_348 = arith.constant 0 : i32
          %dma_wait3A_349 = arith.constant 0 : i32
          %dma_wait3A_350 = tpu.memref_slice %arg9[%dma_wait3A_347, %dma_wait3A_348, %dma_wait3A_349] : memref<4x64x129xf32, #tpu.memory_space<vmem>> -> memref<1x64x128xf32, #tpu.memory_space<vmem>>
          %dma_wait3A_351 = tpu.memref_squeeze %dma_wait3A_350 : memref<1x64x128xf32, #tpu.memory_space<vmem>> -> memref<64x128xf32, #tpu.memory_space<vmem>>
          %dma_wait3A_352 = arith.constant 0 : i32
          %dma_wait3A_353 = arith.constant 0 : i32
          %dma_wait3A_354 = tpu.memref_slice %arg5[%dma_wait3A_346, %dma_wait3A_352, %dma_wait3A_353] : memref<200x64x4096xf32, #tpu.memory_space<hbm>> -> memref<1x64x128xf32, #tpu.memory_space<hbm>>
          %dma_wait3A_355 = tpu.memref_squeeze %dma_wait3A_354 : memref<1x64x128xf32, #tpu.memory_space<hbm>> -> memref<64x128xf32, #tpu.memory_space<hbm>>
          %dma_wait3A_356 = arith.constant 0 : i32
          %dma_wait3A_357 = arith.constant 0 : i32
          %dma_wait3A_358 = tpu.memref_slice %arg9[%dma_wait3A_347, %dma_wait3A_356, %dma_wait3A_357] : memref<4x64x129xf32, #tpu.memory_space<vmem>> -> memref<1x64x128xf32, #tpu.memory_space<vmem>>
          %dma_wait3A_359 = tpu.memref_squeeze %dma_wait3A_358 : memref<1x64x128xf32, #tpu.memory_space<vmem>> -> memref<64x128xf32, #tpu.memory_space<vmem>>
          %dma_wait3A_360 = arith.constant 0 : i32
          %dma_wait3A_361 = arith.constant 0 : i32
          %dma_wait3A_362 = tpu.memref_slice %arg5[%dma_wait3A_346, %dma_wait3A_360, %dma_wait3A_361] : memref<200x64x4096xf32, #tpu.memory_space<hbm>> -> memref<1x64x128xf32, #tpu.memory_space<hbm>>
          %dma_wait3A_363 = tpu.memref_squeeze %dma_wait3A_362 : memref<1x64x128xf32, #tpu.memory_space<hbm>> -> memref<64x128xf32, #tpu.memory_space<hbm>>
          tpu.wait_dma2 semaphore(%arg14 : memref<!tpu.dma_semaphore, #tpu.memory_space<semaphore_mem>>) src(%dma_wait3A_363 : memref<64x128xf32, #tpu.memory_space<hbm>>) dst(%dma_wait3A_359 : memref<64x128xf32, #tpu.memory_space<vmem>>)
        } else {
        }
        %add3A_333 = arith.constant 2 : i32
        %add3A_334 = arith.addi %add3A_222, %add3A_333 : i32
        %dma_start3A_335 = arith.constant 0 : i32
        %dma_start3A_336 = arith.constant 0 : i32
        %dma_start3A_337 = arith.constant 0 : i32
        %dma_start3A_338 = tpu.memref_slice %arg8[%dma_start3A_335, %dma_start3A_336, %dma_start3A_337] : memref<4x128x64xf32, #tpu.memory_space<vmem>> -> memref<1x128x64xf32, #tpu.memory_space<vmem>>
        %dma_start3A_339 = tpu.memref_squeeze %dma_start3A_338 : memref<1x128x64xf32, #tpu.memory_space<vmem>> -> memref<128x64xf32, #tpu.memory_space<vmem>>
        %dma_start3A_340 = arith.constant 0 : i32
        %dma_start3A_341 = tpu.memref_slice %arg6[%add3A_334, %dma_start3A_340] : memref<200x128xi32, #tpu.memory_space<vmem>> -> memref<1x128xi32, #tpu.memory_space<vmem>>
        %dma_start3A_342 = tpu.memref_squeeze %dma_start3A_341 : memref<1x128xi32, #tpu.memory_space<vmem>> -> memref<128xi32, #tpu.memory_space<vmem>>
        %dma_start3A_343 = arith.constant 0 : i32
        %dma_start3A_344 = arith.constant 0 : i32
        %dma_start3A_345 = tpu.memref_slice %arg3[%dma_start3A_343, %dma_start3A_344] : memref<100000x64xf32, #tpu.memory_space<hbm>> -> memref<100000x64xf32, #tpu.memory_space<hbm>>
        tpu.enqueue_indirect_dma source(%dma_start3A_345 : memref<100000x64xf32, #tpu.memory_space<hbm>>) target(%dma_start3A_339 : memref<128x64xf32, #tpu.memory_space<vmem>>) offsets(%dma_start3A_342 : memref<128xi32, #tpu.memory_space<vmem>>) semaphore(%arg10 : memref<!tpu.dma_semaphore, #tpu.memory_space<semaphore_mem>>)
      } else {
      }
      %get3A_245 = arith.index_cast %add3A_222 : i32 to index
      %get3A_246 = arith.constant 0 : index
      %get3A_247 = tpu.vector_load %arg7[%get3A_245, %get3A_246] {strides = array<i32>} : memref<200x64xf32, #tpu.memory_space<vmem>>, vector<16xf32>,
      %get3A_248 = arith.index_cast %add3A_222 : i32 to index
      %get3A_249 = arith.constant 16 : index
      %get3A_250 = tpu.vector_load %arg7[%get3A_248, %get3A_249] {strides = array<i32>} : memref<200x64xf32, #tpu.memory_space<vmem>>, vector<16xf32>,
      %get3A_251 = arith.index_cast %add3A_222 : i32 to index
      %get3A_252 = arith.constant 32 : index
      %get3A_253 = tpu.vector_load %arg7[%get3A_251, %get3A_252] {strides = array<i32>} : memref<200x64xf32, #tpu.memory_space<vmem>>, vector<16xf32>,
      %get3A_254 = arith.index_cast %add3A_222 : i32 to index
      %get3A_255 = arith.constant 48 : index
      %get3A_256 = tpu.vector_load %arg7[%get3A_254, %get3A_255] {strides = array<i32>} : memref<200x64xf32, #tpu.memory_space<vmem>>, vector<16xf32>,
      %parallel_loop3A_257 = arith.constant 0 : i32
      %parallel_loop3A_258 = arith.constant 128 : i32
      %parallel_loop3A_259 = arith.constant 1 : i32
      scf.for %parallel_loop3A_329 = %parallel_loop3A_257 to %parallel_loop3A_258 step %parallel_loop3A_259  : i32 {
        %parallel_loop3A_330 = vector.broadcast %parallel_loop3A_329 : i32 to vector<16xi32>
        %parallel_loop3A_331 = arith.constant 2 : i32
        %parallel_loop3A_332 = arith.index_cast %parallel_loop3A_331 : i32 to index
        %parallel_loop3A_333 = arith.index_cast %parallel_loop3A_329 : i32 to index
        %parallel_loop3A_334 = arith.constant 0 : index
        %parallel_loop3A_335 = tpu.vector_load %arg8[%parallel_loop3A_332, %parallel_loop3A_333, %parallel_loop3A_334] {strides = array<i32>} : memref<4x128x64xf32, #tpu.memory_space<vmem>>, vector<16xf32>,
        %parallel_loop3A_336 = arith.addf %parallel_loop3A_335, %get3A_247 : vector<16xf32>
        %parallel_loop3A_337 = arith.constant 2 : i32
        %parallel_loop3A_338 = arith.constant 0 : i32
        %parallel_loop3A_339 = arith.constant 0 : i32
        %parallel_loop3A_340 = tpu.memref_slice %arg9[%parallel_loop3A_337, %parallel_loop3A_338, %parallel_loop3A_339] : memref<4x64x129xf32, #tpu.memory_space<vmem>> -> memref<1x64x129xf32, #tpu.memory_space<vmem>>
        %parallel_loop3A_341 = tpu.memref_squeeze %parallel_loop3A_340 : memref<1x64x129xf32, #tpu.memory_space<vmem>> -> memref<64x129xf32, #tpu.memory_space<vmem>>
        tpu.vector_store_idx %parallel_loop3A_341[%add3A_28, %parallel_loop3A_330], %parallel_loop3A_336 : memref<64x129xf32, #tpu.memory_space<vmem>>[vector<16xi32>, vector<16xi32>], vector<16xf32>,
        %parallel_loop3A_342 = arith.constant 2 : i32
        %parallel_loop3A_343 = arith.index_cast %parallel_loop3A_342 : i32 to index
        %parallel_loop3A_344 = arith.index_cast %parallel_loop3A_329 : i32 to index
        %parallel_loop3A_345 = arith.constant 16 : index
        %parallel_loop3A_346 = tpu.vector_load %arg8[%parallel_loop3A_343, %parallel_loop3A_344, %parallel_loop3A_345] {strides = array<i32>} : memref<4x128x64xf32, #tpu.memory_space<vmem>>, vector<16xf32>,
        %parallel_loop3A_347 = arith.addf %parallel_loop3A_346, %get3A_250 : vector<16xf32>
        %parallel_loop3A_348 = arith.constant 2 : i32
        %parallel_loop3A_349 = arith.constant 0 : i32
        %parallel_loop3A_350 = arith.constant 0 : i32
        %parallel_loop3A_351 = tpu.memref_slice %arg9[%parallel_loop3A_348, %parallel_loop3A_349, %parallel_loop3A_350] : memref<4x64x129xf32, #tpu.memory_space<vmem>> -> memref<1x64x129xf32, #tpu.memory_space<vmem>>
        %parallel_loop3A_352 = tpu.memref_squeeze %parallel_loop3A_351 : memref<1x64x129xf32, #tpu.memory_space<vmem>> -> memref<64x129xf32, #tpu.memory_space<vmem>>
        tpu.vector_store_idx %parallel_loop3A_352[%add3A_31, %parallel_loop3A_330], %parallel_loop3A_347 : memref<64x129xf32, #tpu.memory_space<vmem>>[vector<16xi32>, vector<16xi32>], vector<16xf32>,
        %parallel_loop3A_353 = arith.constant 2 : i32
        %parallel_loop3A_354 = arith.index_cast %parallel_loop3A_353 : i32 to index
        %parallel_loop3A_355 = arith.index_cast %parallel_loop3A_329 : i32 to index
        %parallel_loop3A_356 = arith.constant 32 : index
        %parallel_loop3A_357 = tpu.vector_load %arg8[%parallel_loop3A_354, %parallel_loop3A_355, %parallel_loop3A_356] {strides = array<i32>} : memref<4x128x64xf32, #tpu.memory_space<vmem>>, vector<16xf32>,
        %parallel_loop3A_358 = arith.addf %parallel_loop3A_357, %get3A_253 : vector<16xf32>
        %parallel_loop3A_359 = arith.constant 2 : i32
        %parallel_loop3A_360 = arith.constant 0 : i32
        %parallel_loop3A_361 = arith.constant 0 : i32
        %parallel_loop3A_362 = tpu.memref_slice %arg9[%parallel_loop3A_359, %parallel_loop3A_360, %parallel_loop3A_361] : memref<4x64x129xf32, #tpu.memory_space<vmem>> -> memref<1x64x129xf32, #tpu.memory_space<vmem>>
        %parallel_loop3A_363 = tpu.memref_squeeze %parallel_loop3A_362 : memref<1x64x129xf32, #tpu.memory_space<vmem>> -> memref<64x129xf32, #tpu.memory_space<vmem>>
        tpu.vector_store_idx %parallel_loop3A_363[%add3A_34, %parallel_loop3A_330], %parallel_loop3A_358 : memref<64x129xf32, #tpu.memory_space<vmem>>[vector<16xi32>, vector<16xi32>], vector<16xf32>,
        %parallel_loop3A_364 = arith.constant 2 : i32
        %parallel_loop3A_365 = arith.index_cast %parallel_loop3A_364 : i32 to index
        %parallel_loop3A_366 = arith.index_cast %parallel_loop3A_329 : i32 to index
        %parallel_loop3A_367 = arith.constant 48 : index
        %parallel_loop3A_368 = tpu.vector_load %arg8[%parallel_loop3A_365, %parallel_loop3A_366, %parallel_loop3A_367] {strides = array<i32>} : memref<4x128x64xf32, #tpu.memory_space<vmem>>, vector<16xf32>,
        %parallel_loop3A_369 = arith.addf %parallel_loop3A_368, %get3A_256 : vector<16xf32>
        %parallel_loop3A_370 = arith.constant 2 : i32
        %parallel_loop3A_371 = arith.constant 0 : i32
        %parallel_loop3A_372 = arith.constant 0 : i32
        %parallel_loop3A_373 = tpu.memref_slice %arg9[%parallel_loop3A_370, %parallel_loop3A_371, %parallel_loop3A_372] : memref<4x64x129xf32, #tpu.memory_space<vmem>> -> memref<1x64x129xf32, #tpu.memory_space<vmem>>
        %parallel_loop3A_374 = tpu.memref_squeeze %parallel_loop3A_373 : memref<1x64x129xf32, #tpu.memory_space<vmem>> -> memref<64x129xf32, #tpu.memory_space<vmem>>
        tpu.vector_store_idx %parallel_loop3A_374[%add3A_37, %parallel_loop3A_330], %parallel_loop3A_369 : memref<64x129xf32, #tpu.memory_space<vmem>>[vector<16xi32>, vector<16xi32>], vector<16xf32>,
      } {sc.loop_unroll_factor = 2 : i64, sc.parallel_access}
      %dma_start3A_260 = arith.constant 2 : i32
      %dma_start3A_261 = arith.constant 0 : i32
      %dma_start3A_262 = arith.constant 0 : i32
      %dma_start3A_263 = tpu.memref_slice %arg9[%dma_start3A_260, %dma_start3A_261, %dma_start3A_262] : memref<4x64x129xf32, #tpu.memory_space<vmem>> -> memref<1x64x128xf32, #tpu.memory_space<vmem>>
      %dma_start3A_264 = tpu.memref_squeeze %dma_start3A_263 : memref<1x64x128xf32, #tpu.memory_space<vmem>> -> memref<64x128xf32, #tpu.memory_space<vmem>>
      %dma_start3A_265 = arith.constant 0 : i32
      %dma_start3A_266 = tpu.memref_slice %arg5[%add3A_222, %dma_start3A_265, %mul3A_2] : memref<200x64x4096xf32, #tpu.memory_space<hbm>> -> memref<1x64x128xf32, #tpu.memory_space<hbm>>
      %dma_start3A_267 = tpu.memref_squeeze %dma_start3A_266 : memref<1x64x128xf32, #tpu.memory_space<hbm>> -> memref<64x128xf32, #tpu.memory_space<hbm>>
      %dma_start3A_268 = arith.constant 0 : i32
      %dma_start3A_269 = tpu.memref_slice %arg5[%add3A_222, %dma_start3A_268, %mul3A_2] : memref<200x64x4096xf32, #tpu.memory_space<hbm>> -> memref<1x64x128xf32, #tpu.memory_space<hbm>>
      %dma_start3A_270 = tpu.memref_squeeze %dma_start3A_269 : memref<1x64x128xf32, #tpu.memory_space<hbm>> -> memref<64x128xf32, #tpu.memory_space<hbm>>
      %dma_start3A_271 = arith.constant 0 : i32
      %dma_start3A_272 = arith.constant 0 : i32
      %dma_start3A_273 = tpu.memref_slice %arg9[%dma_start3A_260, %dma_start3A_271, %dma_start3A_272] : memref<4x64x129xf32, #tpu.memory_space<vmem>> -> memref<1x64x128xf32, #tpu.memory_space<vmem>>
      %dma_start3A_274 = tpu.memref_squeeze %dma_start3A_273 : memref<1x64x128xf32, #tpu.memory_space<vmem>> -> memref<64x128xf32, #tpu.memory_space<vmem>>
      tpu.enqueue_dma source(%dma_start3A_274 : memref<64x128xf32, #tpu.memory_space<vmem>>) target(%dma_start3A_270 : memref<64x128xf32, #tpu.memory_space<hbm>>) target_semaphore(%arg16 : memref<!tpu.dma_semaphore, #tpu.memory_space<semaphore_mem>>)
      %add3A_275 = arith.constant 3 : i32
      %add3A_276 = arith.addi %add3A_117, %add3A_275 : i32
      %dma_wait3A_277 = arith.constant 3 : i32
      %dma_wait3A_278 = arith.constant 0 : i32
      %dma_wait3A_279 = arith.constant 0 : i32
      %dma_wait3A_280 = tpu.memref_slice %arg8[%dma_wait3A_277, %dma_wait3A_278, %dma_wait3A_279] : memref<4x128x64xf32, #tpu.memory_space<vmem>> -> memref<1x128x64xf32, #tpu.memory_space<vmem>>
      %dma_wait3A_281 = tpu.memref_squeeze %dma_wait3A_280 : memref<1x128x64xf32, #tpu.memory_space<vmem>> -> memref<128x64xf32, #tpu.memory_space<vmem>>
      %dma_wait3A_282 = arith.constant 0 : i32
      %dma_wait3A_283 = arith.constant 0 : i32
      %dma_wait3A_284 = tpu.memref_slice %arg3[%dma_wait3A_282, %dma_wait3A_283] : memref<100000x64xf32, #tpu.memory_space<hbm>> -> memref<128x64xf32, #tpu.memory_space<hbm>>
      %dma_wait3A_285 = arith.constant 0 : i32
      %dma_wait3A_286 = arith.constant 0 : i32
      %dma_wait3A_287 = tpu.memref_slice %arg8[%dma_wait3A_277, %dma_wait3A_285, %dma_wait3A_286] : memref<4x128x64xf32, #tpu.memory_space<vmem>> -> memref<1x128x64xf32, #tpu.memory_space<vmem>>
      %dma_wait3A_288 = tpu.memref_squeeze %dma_wait3A_287 : memref<1x128x64xf32, #tpu.memory_space<vmem>> -> memref<128x64xf32, #tpu.memory_space<vmem>>
      %dma_wait3A_289 = arith.constant 0 : i32
      %dma_wait3A_290 = arith.constant 0 : i32
      %dma_wait3A_291 = tpu.memref_slice %arg3[%dma_wait3A_289, %dma_wait3A_290] : memref<100000x64xf32, #tpu.memory_space<hbm>> -> memref<128x64xf32, #tpu.memory_space<hbm>>
      tpu.wait_dma2 semaphore(%arg13 : memref<!tpu.dma_semaphore, #tpu.memory_space<semaphore_mem>>) src(%dma_wait3A_291 : memref<128x64xf32, #tpu.memory_space<hbm>>) dst(%dma_wait3A_288 : memref<128x64xf32, #tpu.memory_space<vmem>>)
      %add3A_292 = arith.constant 2 : i32
      %add3A_293 = arith.addi %add3A_276, %add3A_292 : i32
      %lt3A_294 = arith.constant 200 : i32
      %lt3A_295 = arith.cmpi slt, %add3A_293, %lt3A_294 : i32
      %convert_element_type3A_296 = arith.extui %lt3A_295 : i1 to i32
      %cond3A_297 = arith.constant 0 : i32
      %cond3A_298 = arith.cmpi ne, %convert_element_type3A_296, %cond3A_297 : i32
      scf.if %cond3A_298 {
        %ge3A = arith.constant 2 : i32
        %ge3A_329 = arith.cmpi sge, %add3A_276, %ge3A : i32
        %convert_element_type3A_330 = arith.extui %ge3A_329 : i1 to i32
        %cond3A_331 = arith.constant 0 : i32
        %cond3A_332 = arith.cmpi ne, %convert_element_type3A_330, %cond3A_331 : i32
        scf.if %cond3A_332 {
          %dma_wait3A_346 = arith.constant 0 : i32
          %dma_wait3A_347 = arith.constant 1 : i32
          %dma_wait3A_348 = arith.constant 0 : i32
          %dma_wait3A_349 = arith.constant 0 : i32
          %dma_wait3A_350 = tpu.memref_slice %arg9[%dma_wait3A_347, %dma_wait3A_348, %dma_wait3A_349] : memref<4x64x129xf32, #tpu.memory_space<vmem>> -> memref<1x64x128xf32, #tpu.memory_space<vmem>>
          %dma_wait3A_351 = tpu.memref_squeeze %dma_wait3A_350 : memref<1x64x128xf32, #tpu.memory_space<vmem>> -> memref<64x128xf32, #tpu.memory_space<vmem>>
          %dma_wait3A_352 = arith.constant 0 : i32
          %dma_wait3A_353 = arith.constant 0 : i32
          %dma_wait3A_354 = tpu.memref_slice %arg5[%dma_wait3A_346, %dma_wait3A_352, %dma_wait3A_353] : memref<200x64x4096xf32, #tpu.memory_space<hbm>> -> memref<1x64x128xf32, #tpu.memory_space<hbm>>
          %dma_wait3A_355 = tpu.memref_squeeze %dma_wait3A_354 : memref<1x64x128xf32, #tpu.memory_space<hbm>> -> memref<64x128xf32, #tpu.memory_space<hbm>>
          %dma_wait3A_356 = arith.constant 0 : i32
          %dma_wait3A_357 = arith.constant 0 : i32
          %dma_wait3A_358 = tpu.memref_slice %arg9[%dma_wait3A_347, %dma_wait3A_356, %dma_wait3A_357] : memref<4x64x129xf32, #tpu.memory_space<vmem>> -> memref<1x64x128xf32, #tpu.memory_space<vmem>>
          %dma_wait3A_359 = tpu.memref_squeeze %dma_wait3A_358 : memref<1x64x128xf32, #tpu.memory_space<vmem>> -> memref<64x128xf32, #tpu.memory_space<vmem>>
          %dma_wait3A_360 = arith.constant 0 : i32
          %dma_wait3A_361 = arith.constant 0 : i32
          %dma_wait3A_362 = tpu.memref_slice %arg5[%dma_wait3A_346, %dma_wait3A_360, %dma_wait3A_361] : memref<200x64x4096xf32, #tpu.memory_space<hbm>> -> memref<1x64x128xf32, #tpu.memory_space<hbm>>
          %dma_wait3A_363 = tpu.memref_squeeze %dma_wait3A_362 : memref<1x64x128xf32, #tpu.memory_space<hbm>> -> memref<64x128xf32, #tpu.memory_space<hbm>>
          tpu.wait_dma2 semaphore(%arg15 : memref<!tpu.dma_semaphore, #tpu.memory_space<semaphore_mem>>) src(%dma_wait3A_363 : memref<64x128xf32, #tpu.memory_space<hbm>>) dst(%dma_wait3A_359 : memref<64x128xf32, #tpu.memory_space<vmem>>)
        } else {
        }
        %add3A_333 = arith.constant 2 : i32
        %add3A_334 = arith.addi %add3A_276, %add3A_333 : i32
        %dma_start3A_335 = arith.constant 1 : i32
        %dma_start3A_336 = arith.constant 0 : i32
        %dma_start3A_337 = arith.constant 0 : i32
        %dma_start3A_338 = tpu.memref_slice %arg8[%dma_start3A_335, %dma_start3A_336, %dma_start3A_337] : memref<4x128x64xf32, #tpu.memory_space<vmem>> -> memref<1x128x64xf32, #tpu.memory_space<vmem>>
        %dma_start3A_339 = tpu.memref_squeeze %dma_start3A_338 : memref<1x128x64xf32, #tpu.memory_space<vmem>> -> memref<128x64xf32, #tpu.memory_space<vmem>>
        %dma_start3A_340 = arith.constant 0 : i32
        %dma_start3A_341 = tpu.memref_slice %arg6[%add3A_334, %dma_start3A_340] : memref<200x128xi32, #tpu.memory_space<vmem>> -> memref<1x128xi32, #tpu.memory_space<vmem>>
        %dma_start3A_342 = tpu.memref_squeeze %dma_start3A_341 : memref<1x128xi32, #tpu.memory_space<vmem>> -> memref<128xi32, #tpu.memory_space<vmem>>
        %dma_start3A_343 = arith.constant 0 : i32
        %dma_start3A_344 = arith.constant 0 : i32
        %dma_start3A_345 = tpu.memref_slice %arg3[%dma_start3A_343, %dma_start3A_344] : memref<100000x64xf32, #tpu.memory_space<hbm>> -> memref<100000x64xf32, #tpu.memory_space<hbm>>
        tpu.enqueue_indirect_dma source(%dma_start3A_345 : memref<100000x64xf32, #tpu.memory_space<hbm>>) target(%dma_start3A_339 : memref<128x64xf32, #tpu.memory_space<vmem>>) offsets(%dma_start3A_342 : memref<128xi32, #tpu.memory_space<vmem>>) semaphore(%arg11 : memref<!tpu.dma_semaphore, #tpu.memory_space<semaphore_mem>>)
      } else {
      }
      %get3A_299 = arith.index_cast %add3A_276 : i32 to index
      %get3A_300 = arith.constant 0 : index
      %get3A_301 = tpu.vector_load %arg7[%get3A_299, %get3A_300] {strides = array<i32>} : memref<200x64xf32, #tpu.memory_space<vmem>>, vector<16xf32>,
      %get3A_302 = arith.index_cast %add3A_276 : i32 to index
      %get3A_303 = arith.constant 16 : index
      %get3A_304 = tpu.vector_load %arg7[%get3A_302, %get3A_303] {strides = array<i32>} : memref<200x64xf32, #tpu.memory_space<vmem>>, vector<16xf32>,
      %get3A_305 = arith.index_cast %add3A_276 : i32 to index
      %get3A_306 = arith.constant 32 : index
      %get3A_307 = tpu.vector_load %arg7[%get3A_305, %get3A_306] {strides = array<i32>} : memref<200x64xf32, #tpu.memory_space<vmem>>, vector<16xf32>,
      %get3A_308 = arith.index_cast %add3A_276 : i32 to index
      %get3A_309 = arith.constant 48 : index
      %get3A_310 = tpu.vector_load %arg7[%get3A_308, %get3A_309] {strides = array<i32>} : memref<200x64xf32, #tpu.memory_space<vmem>>, vector<16xf32>,
      %parallel_loop3A_311 = arith.constant 0 : i32
      %parallel_loop3A_312 = arith.constant 128 : i32
      %parallel_loop3A_313 = arith.constant 1 : i32
      scf.for %parallel_loop3A_329 = %parallel_loop3A_311 to %parallel_loop3A_312 step %parallel_loop3A_313  : i32 {
        %parallel_loop3A_330 = vector.broadcast %parallel_loop3A_329 : i32 to vector<16xi32>
        %parallel_loop3A_331 = arith.constant 3 : i32
        %parallel_loop3A_332 = arith.index_cast %parallel_loop3A_331 : i32 to index
        %parallel_loop3A_333 = arith.index_cast %parallel_loop3A_329 : i32 to index
        %parallel_loop3A_334 = arith.constant 0 : index
        %parallel_loop3A_335 = tpu.vector_load %arg8[%parallel_loop3A_332, %parallel_loop3A_333, %parallel_loop3A_334] {strides = array<i32>} : memref<4x128x64xf32, #tpu.memory_space<vmem>>, vector<16xf32>,
        %parallel_loop3A_336 = arith.addf %parallel_loop3A_335, %get3A_301 : vector<16xf32>
        %parallel_loop3A_337 = arith.constant 3 : i32
        %parallel_loop3A_338 = arith.constant 0 : i32
        %parallel_loop3A_339 = arith.constant 0 : i32
        %parallel_loop3A_340 = tpu.memref_slice %arg9[%parallel_loop3A_337, %parallel_loop3A_338, %parallel_loop3A_339] : memref<4x64x129xf32, #tpu.memory_space<vmem>> -> memref<1x64x129xf32, #tpu.memory_space<vmem>>
        %parallel_loop3A_341 = tpu.memref_squeeze %parallel_loop3A_340 : memref<1x64x129xf32, #tpu.memory_space<vmem>> -> memref<64x129xf32, #tpu.memory_space<vmem>>
        tpu.vector_store_idx %parallel_loop3A_341[%add3A_28, %parallel_loop3A_330], %parallel_loop3A_336 : memref<64x129xf32, #tpu.memory_space<vmem>>[vector<16xi32>, vector<16xi32>], vector<16xf32>,
        %parallel_loop3A_342 = arith.constant 3 : i32
        %parallel_loop3A_343 = arith.index_cast %parallel_loop3A_342 : i32 to index
        %parallel_loop3A_344 = arith.index_cast %parallel_loop3A_329 : i32 to index
        %parallel_loop3A_345 = arith.constant 16 : index
        %parallel_loop3A_346 = tpu.vector_load %arg8[%parallel_loop3A_343, %parallel_loop3A_344, %parallel_loop3A_345] {strides = array<i32>} : memref<4x128x64xf32, #tpu.memory_space<vmem>>, vector<16xf32>,
        %parallel_loop3A_347 = arith.addf %parallel_loop3A_346, %get3A_304 : vector<16xf32>
        %parallel_loop3A_348 = arith.constant 3 : i32
        %parallel_loop3A_349 = arith.constant 0 : i32
        %parallel_loop3A_350 = arith.constant 0 : i32
        %parallel_loop3A_351 = tpu.memref_slice %arg9[%parallel_loop3A_348, %parallel_loop3A_349, %parallel_loop3A_350] : memref<4x64x129xf32, #tpu.memory_space<vmem>> -> memref<1x64x129xf32, #tpu.memory_space<vmem>>
        %parallel_loop3A_352 = tpu.memref_squeeze %parallel_loop3A_351 : memref<1x64x129xf32, #tpu.memory_space<vmem>> -> memref<64x129xf32, #tpu.memory_space<vmem>>
        tpu.vector_store_idx %parallel_loop3A_352[%add3A_31, %parallel_loop3A_330], %parallel_loop3A_347 : memref<64x129xf32, #tpu.memory_space<vmem>>[vector<16xi32>, vector<16xi32>], vector<16xf32>,
        %parallel_loop3A_353 = arith.constant 3 : i32
        %parallel_loop3A_354 = arith.index_cast %parallel_loop3A_353 : i32 to index
        %parallel_loop3A_355 = arith.index_cast %parallel_loop3A_329 : i32 to index
        %parallel_loop3A_356 = arith.constant 32 : index
        %parallel_loop3A_357 = tpu.vector_load %arg8[%parallel_loop3A_354, %parallel_loop3A_355, %parallel_loop3A_356] {strides = array<i32>} : memref<4x128x64xf32, #tpu.memory_space<vmem>>, vector<16xf32>,
        %parallel_loop3A_358 = arith.addf %parallel_loop3A_357, %get3A_307 : vector<16xf32>
        %parallel_loop3A_359 = arith.constant 3 : i32
        %parallel_loop3A_360 = arith.constant 0 : i32
        %parallel_loop3A_361 = arith.constant 0 : i32
        %parallel_loop3A_362 = tpu.memref_slice %arg9[%parallel_loop3A_359, %parallel_loop3A_360, %parallel_loop3A_361] : memref<4x64x129xf32, #tpu.memory_space<vmem>> -> memref<1x64x129xf32, #tpu.memory_space<vmem>>
        %parallel_loop3A_363 = tpu.memref_squeeze %parallel_loop3A_362 : memref<1x64x129xf32, #tpu.memory_space<vmem>> -> memref<64x129xf32, #tpu.memory_space<vmem>>
        tpu.vector_store_idx %parallel_loop3A_363[%add3A_34, %parallel_loop3A_330], %parallel_loop3A_358 : memref<64x129xf32, #tpu.memory_space<vmem>>[vector<16xi32>, vector<16xi32>], vector<16xf32>,
        %parallel_loop3A_364 = arith.constant 3 : i32
        %parallel_loop3A_365 = arith.index_cast %parallel_loop3A_364 : i32 to index
        %parallel_loop3A_366 = arith.index_cast %parallel_loop3A_329 : i32 to index
        %parallel_loop3A_367 = arith.constant 48 : index
        %parallel_loop3A_368 = tpu.vector_load %arg8[%parallel_loop3A_365, %parallel_loop3A_366, %parallel_loop3A_367] {strides = array<i32>} : memref<4x128x64xf32, #tpu.memory_space<vmem>>, vector<16xf32>,
        %parallel_loop3A_369 = arith.addf %parallel_loop3A_368, %get3A_310 : vector<16xf32>
        %parallel_loop3A_370 = arith.constant 3 : i32
        %parallel_loop3A_371 = arith.constant 0 : i32
        %parallel_loop3A_372 = arith.constant 0 : i32
        %parallel_loop3A_373 = tpu.memref_slice %arg9[%parallel_loop3A_370, %parallel_loop3A_371, %parallel_loop3A_372] : memref<4x64x129xf32, #tpu.memory_space<vmem>> -> memref<1x64x129xf32, #tpu.memory_space<vmem>>
        %parallel_loop3A_374 = tpu.memref_squeeze %parallel_loop3A_373 : memref<1x64x129xf32, #tpu.memory_space<vmem>> -> memref<64x129xf32, #tpu.memory_space<vmem>>
        tpu.vector_store_idx %parallel_loop3A_374[%add3A_37, %parallel_loop3A_330], %parallel_loop3A_369 : memref<64x129xf32, #tpu.memory_space<vmem>>[vector<16xi32>, vector<16xi32>], vector<16xf32>,
      } {sc.loop_unroll_factor = 2 : i64, sc.parallel_access}
      %dma_start3A_314 = arith.constant 3 : i32
      %dma_start3A_315 = arith.constant 0 : i32
      %dma_start3A_316 = arith.constant 0 : i32
      %dma_start3A_317 = tpu.memref_slice %arg9[%dma_start3A_314, %dma_start3A_315, %dma_start3A_316] : memref<4x64x129xf32, #tpu.memory_space<vmem>> -> memref<1x64x128xf32, #tpu.memory_space<vmem>>
      %dma_start3A_318 = tpu.memref_squeeze %dma_start3A_317 : memref<1x64x128xf32, #tpu.memory_space<vmem>> -> memref<64x128xf32, #tpu.memory_space<vmem>>
      %dma_start3A_319 = arith.constant 0 : i32
      %dma_start3A_320 = tpu.memref_slice %arg5[%add3A_276, %dma_start3A_319, %mul3A_2] : memref<200x64x4096xf32, #tpu.memory_space<hbm>> -> memref<1x64x128xf32, #tpu.memory_space<hbm>>
      %dma_start3A_321 = tpu.memref_squeeze %dma_start3A_320 : memref<1x64x128xf32, #tpu.memory_space<hbm>> -> memref<64x128xf32, #tpu.memory_space<hbm>>
      %dma_start3A_322 = arith.constant 0 : i32
      %dma_start3A_323 = tpu.memref_slice %arg5[%add3A_276, %dma_start3A_322, %mul3A_2] : memref<200x64x4096xf32, #tpu.memory_space<hbm>> -> memref<1x64x128xf32, #tpu.memory_space<hbm>>
      %dma_start3A_324 = tpu.memref_squeeze %dma_start3A_323 : memref<1x64x128xf32, #tpu.memory_space<hbm>> -> memref<64x128xf32, #tpu.memory_space<hbm>>
      %dma_start3A_325 = arith.constant 0 : i32
      %dma_start3A_326 = arith.constant 0 : i32
      %dma_start3A_327 = tpu.memref_slice %arg9[%dma_start3A_314, %dma_start3A_325, %dma_start3A_326] : memref<4x64x129xf32, #tpu.memory_space<vmem>> -> memref<1x64x128xf32, #tpu.memory_space<vmem>>
      %dma_start3A_328 = tpu.memref_squeeze %dma_start3A_327 : memref<1x64x128xf32, #tpu.memory_space<vmem>> -> memref<64x128xf32, #tpu.memory_space<vmem>>
      tpu.enqueue_dma source(%dma_start3A_328 : memref<64x128xf32, #tpu.memory_space<vmem>>) target(%dma_start3A_324 : memref<64x128xf32, #tpu.memory_space<hbm>>) target_semaphore(%arg17 : memref<!tpu.dma_semaphore, #tpu.memory_space<semaphore_mem>>)
    }
    %scan3A_41 = arith.constant 50 : i32
    %dma_wait3A = arith.constant 0 : i32
    %dma_wait3A_42 = arith.constant 0 : i32
    %dma_wait3A_43 = arith.constant 0 : i32
    %dma_wait3A_44 = arith.constant 0 : i32
    %dma_wait3A_45 = tpu.memref_slice %arg9[%dma_wait3A_42, %dma_wait3A_43, %dma_wait3A_44] : memref<4x64x129xf32, #tpu.memory_space<vmem>> -> memref<1x64x128xf32, #tpu.memory_space<vmem>>
    %dma_wait3A_46 = tpu.memref_squeeze %dma_wait3A_45 : memref<1x64x128xf32, #tpu.memory_space<vmem>> -> memref<64x128xf32, #tpu.memory_space<vmem>>
    %dma_wait3A_47 = arith.constant 0 : i32
    %dma_wait3A_48 = arith.constant 0 : i32
    %dma_wait3A_49 = tpu.memref_slice %arg5[%dma_wait3A, %dma_wait3A_47, %dma_wait3A_48] : memref<200x64x4096xf32, #tpu.memory_space<hbm>> -> memref<1x64x128xf32, #tpu.memory_space<hbm>>
    %dma_wait3A_50 = tpu.memref_squeeze %dma_wait3A_49 : memref<1x64x128xf32, #tpu.memory_space<hbm>> -> memref<64x128xf32, #tpu.memory_space<hbm>>
    %dma_wait3A_51 = arith.constant 0 : i32
    %dma_wait3A_52 = arith.constant 0 : i32
    %dma_wait3A_53 = tpu.memref_slice %arg9[%dma_wait3A_42, %dma_wait3A_51, %dma_wait3A_52] : memref<4x64x129xf32, #tpu.memory_space<vmem>> -> memref<1x64x128xf32, #tpu.memory_space<vmem>>
    %dma_wait3A_54 = tpu.memref_squeeze %dma_wait3A_53 : memref<1x64x128xf32, #tpu.memory_space<vmem>> -> memref<64x128xf32, #tpu.memory_space<vmem>>
    %dma_wait3A_55 = arith.constant 0 : i32
    %dma_wait3A_56 = arith.constant 0 : i32
    %dma_wait3A_57 = tpu.memref_slice %arg5[%dma_wait3A, %dma_wait3A_55, %dma_wait3A_56] : memref<200x64x4096xf32, #tpu.memory_space<hbm>> -> memref<1x64x128xf32, #tpu.memory_space<hbm>>
    %dma_wait3A_58 = tpu.memref_squeeze %dma_wait3A_57 : memref<1x64x128xf32, #tpu.memory_space<hbm>> -> memref<64x128xf32, #tpu.memory_space<hbm>>
    tpu.wait_dma2 semaphore(%arg14 : memref<!tpu.dma_semaphore, #tpu.memory_space<semaphore_mem>>) src(%dma_wait3A_58 : memref<64x128xf32, #tpu.memory_space<hbm>>) dst(%dma_wait3A_54 : memref<64x128xf32, #tpu.memory_space<vmem>>)
    %dma_wait3A_59 = arith.constant 0 : i32
    %dma_wait3A_60 = arith.constant 1 : i32
    %dma_wait3A_61 = arith.constant 0 : i32
    %dma_wait3A_62 = arith.constant 0 : i32
    %dma_wait3A_63 = tpu.memref_slice %arg9[%dma_wait3A_60, %dma_wait3A_61, %dma_wait3A_62] : memref<4x64x129xf32, #tpu.memory_space<vmem>> -> memref<1x64x128xf32, #tpu.memory_space<vmem>>
    %dma_wait3A_64 = tpu.memref_squeeze %dma_wait3A_63 : memref<1x64x128xf32, #tpu.memory_space<vmem>> -> memref<64x128xf32, #tpu.memory_space<vmem>>
    %dma_wait3A_65 = arith.constant 0 : i32
    %dma_wait3A_66 = arith.constant 0 : i32
    %dma_wait3A_67 = tpu.memref_slice %arg5[%dma_wait3A_59, %dma_wait3A_65, %dma_wait3A_66] : memref<200x64x4096xf32, #tpu.memory_space<hbm>> -> memref<1x64x128xf32, #tpu.memory_space<hbm>>
    %dma_wait3A_68 = tpu.memref_squeeze %dma_wait3A_67 : memref<1x64x128xf32, #tpu.memory_space<hbm>> -> memref<64x128xf32, #tpu.memory_space<hbm>>
    %dma_wait3A_69 = arith.constant 0 : i32
    %dma_wait3A_70 = arith.constant 0 : i32
    %dma_wait3A_71 = tpu.memref_slice %arg9[%dma_wait3A_60, %dma_wait3A_69, %dma_wait3A_70] : memref<4x64x129xf32, #tpu.memory_space<vmem>> -> memref<1x64x128xf32, #tpu.memory_space<vmem>>
    %dma_wait3A_72 = tpu.memref_squeeze %dma_wait3A_71 : memref<1x64x128xf32, #tpu.memory_space<vmem>> -> memref<64x128xf32, #tpu.memory_space<vmem>>
    %dma_wait3A_73 = arith.constant 0 : i32
    %dma_wait3A_74 = arith.constant 0 : i32
    %dma_wait3A_75 = tpu.memref_slice %arg5[%dma_wait3A_59, %dma_wait3A_73, %dma_wait3A_74] : memref<200x64x4096xf32, #tpu.memory_space<hbm>> -> memref<1x64x128xf32, #tpu.memory_space<hbm>>
    %dma_wait3A_76 = tpu.memref_squeeze %dma_wait3A_75 : memref<1x64x128xf32, #tpu.memory_space<hbm>> -> memref<64x128xf32, #tpu.memory_space<hbm>>
    tpu.wait_dma2 semaphore(%arg15 : memref<!tpu.dma_semaphore, #tpu.memory_space<semaphore_mem>>) src(%dma_wait3A_76 : memref<64x128xf32, #tpu.memory_space<hbm>>) dst(%dma_wait3A_72 : memref<64x128xf32, #tpu.memory_space<vmem>>)
    %dma_wait3A_77 = arith.constant 0 : i32
    %dma_wait3A_78 = arith.constant 2 : i32
    %dma_wait3A_79 = arith.constant 0 : i32
    %dma_wait3A_80 = arith.constant 0 : i32
    %dma_wait3A_81 = tpu.memref_slice %arg9[%dma_wait3A_78, %dma_wait3A_79, %dma_wait3A_80] : memref<4x64x129xf32, #tpu.memory_space<vmem>> -> memref<1x64x128xf32, #tpu.memory_space<vmem>>
    %dma_wait3A_82 = tpu.memref_squeeze %dma_wait3A_81 : memref<1x64x128xf32, #tpu.memory_space<vmem>> -> memref<64x128xf32, #tpu.memory_space<vmem>>
    %dma_wait3A_83 = arith.constant 0 : i32
    %dma_wait3A_84 = arith.constant 0 : i32
    %dma_wait3A_85 = tpu.memref_slice %arg5[%dma_wait3A_77, %dma_wait3A_83, %dma_wait3A_84] : memref<200x64x4096xf32, #tpu.memory_space<hbm>> -> memref<1x64x128xf32, #tpu.memory_space<hbm>>
    %dma_wait3A_86 = tpu.memref_squeeze %dma_wait3A_85 : memref<1x64x128xf32, #tpu.memory_space<hbm>> -> memref<64x128xf32, #tpu.memory_space<hbm>>
    %dma_wait3A_87 = arith.constant 0 : i32
    %dma_wait3A_88 = arith.constant 0 : i32
    %dma_wait3A_89 = tpu.memref_slice %arg9[%dma_wait3A_78, %dma_wait3A_87, %dma_wait3A_88] : memref<4x64x129xf32, #tpu.memory_space<vmem>> -> memref<1x64x128xf32, #tpu.memory_space<vmem>>
    %dma_wait3A_90 = tpu.memref_squeeze %dma_wait3A_89 : memref<1x64x128xf32, #tpu.memory_space<vmem>> -> memref<64x128xf32, #tpu.memory_space<vmem>>
    %dma_wait3A_91 = arith.constant 0 : i32
    %dma_wait3A_92 = arith.constant 0 : i32
    %dma_wait3A_93 = tpu.memref_slice %arg5[%dma_wait3A_77, %dma_wait3A_91, %dma_wait3A_92] : memref<200x64x4096xf32, #tpu.memory_space<hbm>> -> memref<1x64x128xf32, #tpu.memory_space<hbm>>
    %dma_wait3A_94 = tpu.memref_squeeze %dma_wait3A_93 : memref<1x64x128xf32, #tpu.memory_space<hbm>> -> memref<64x128xf32, #tpu.memory_space<hbm>>
    tpu.wait_dma2 semaphore(%arg16 : memref<!tpu.dma_semaphore, #tpu.memory_space<semaphore_mem>>) src(%dma_wait3A_94 : memref<64x128xf32, #tpu.memory_space<hbm>>) dst(%dma_wait3A_90 : memref<64x128xf32, #tpu.memory_space<vmem>>)
    %dma_wait3A_95 = arith.constant 0 : i32
    %dma_wait3A_96 = arith.constant 3 : i32
    %dma_wait3A_97 = arith.constant 0 : i32
    %dma_wait3A_98 = arith.constant 0 : i32
    %dma_wait3A_99 = tpu.memref_slice %arg9[%dma_wait3A_96, %dma_wait3A_97, %dma_wait3A_98] : memref<4x64x129xf32, #tpu.memory_space<vmem>> -> memref<1x64x128xf32, #tpu.memory_space<vmem>>
    %dma_wait3A_100 = tpu.memref_squeeze %dma_wait3A_99 : memref<1x64x128xf32, #tpu.memory_space<vmem>> -> memref<64x128xf32, #tpu.memory_space<vmem>>
    %dma_wait3A_101 = arith.constant 0 : i32
    %dma_wait3A_102 = arith.constant 0 : i32
    %dma_wait3A_103 = tpu.memref_slice %arg5[%dma_wait3A_95, %dma_wait3A_101, %dma_wait3A_102] : memref<200x64x4096xf32, #tpu.memory_space<hbm>> -> memref<1x64x128xf32, #tpu.memory_space<hbm>>
    %dma_wait3A_104 = tpu.memref_squeeze %dma_wait3A_103 : memref<1x64x128xf32, #tpu.memory_space<hbm>> -> memref<64x128xf32, #tpu.memory_space<hbm>>
    %dma_wait3A_105 = arith.constant 0 : i32
    %dma_wait3A_106 = arith.constant 0 : i32
    %dma_wait3A_107 = tpu.memref_slice %arg9[%dma_wait3A_96, %dma_wait3A_105, %dma_wait3A_106] : memref<4x64x129xf32, #tpu.memory_space<vmem>> -> memref<1x64x128xf32, #tpu.memory_space<vmem>>
    %dma_wait3A_108 = tpu.memref_squeeze %dma_wait3A_107 : memref<1x64x128xf32, #tpu.memory_space<vmem>> -> memref<64x128xf32, #tpu.memory_space<vmem>>
    %dma_wait3A_109 = arith.constant 0 : i32
    %dma_wait3A_110 = arith.constant 0 : i32
    %dma_wait3A_111 = tpu.memref_slice %arg5[%dma_wait3A_95, %dma_wait3A_109, %dma_wait3A_110] : memref<200x64x4096xf32, #tpu.memory_space<hbm>> -> memref<1x64x128xf32, #tpu.memory_space<hbm>>
    %dma_wait3A_112 = tpu.memref_squeeze %dma_wait3A_111 : memref<1x64x128xf32, #tpu.memory_space<hbm>> -> memref<64x128xf32, #tpu.memory_space<hbm>>
    tpu.wait_dma2 semaphore(%arg17 : memref<!tpu.dma_semaphore, #tpu.memory_space<semaphore_mem>>) src(%dma_wait3A_112 : memref<64x128xf32, #tpu.memory_space<hbm>>) dst(%dma_wait3A_108 : memref<64x128xf32, #tpu.memory_space<vmem>>)
    return
  }
}

</mosaic_0001>

<sc_bundles>
// kernel: kernel.3.cloned.1.call-start
scs
__scs_entry_jumppad:
0x0: {  	(pc) =	sbr.rel $0x88, $3  }
0x1: {  	(tag) =	ssettag $0x0;
	lr =	simm.s32 $0x1  }
0x2: {  	[smem:$0x3F9F] =	sst lr;
	_ =	strace $0xD0000000  }
0x3: {  	_ = 	snop  }
0x4: {  	_ = 	snop  }
0x5: {  	_ = 	snop  }
0x6: {  	_ = 	snop  }
0x7: {  	_ = 	snop  }
__scs_overlays_trampoline_lowered:
0x8: {  	[smem:$0x3FAE] =	sst s0  }
0x9: {  	[smem:$0x3FAF] =	sst s1  }
0xa: {  	[smem:$0x3FB0] =	sst s2  }
0xb: {  	[smem:$0x3FB1] =	sst s3  }
0xc: {  	[smem:$0x3FB2] =	sst s4  }
0xd: {  	[smem:$0x3FB3] =	sst s5  }
0xe: {  	[smem:$0x3FB4] =	sst s6  }
0xf: {  	[smem:$0x3FB5] =	sst s7  }
0x10: {  	[smem:$0x3FB6] =	sst s8  }
0x11: {  	[smem:$0x3FB7] =	sst s9;
	s0 =	simm.s32 @!p0 $0x0  }
0x12: {  	s1 =	sld [smem:$0x3F9D];
	s0 =	simm.s32 @p0 $0x1  }
0x13: {  	[smem:$0x3FB8] =	sst s0;
	s0 =	simm.s32 @!p1 $0x0  }
0x14: {  	s2 =	sld [smem:$0x3F9C];
	s0 =	simm.s32 @p1 $0x1  }
0x15: {  	[smem:$0x3FB9] =	sst s0;
	s0 =	simm.s32 @!p2 $0x0  }
0x16: {  	s3 =	sld [smem:$0x3FDB];
	s0 =	simm.s32 @p2 $0x1  }
0x17: {  	s4 =	simm.s32 $0x1BF5;
	[smem:$0x3FBB] =	sst s0  }
0x18: {  	s0 =	sld [smem:$0x3F9E];
	_ =	swait.ge [sflag:s4], $0x0  }
0x19: {  	s7 =	sld [smem:$0x3F9F]  }
0x1a: {  	s8 =	sadd.s32 $0xFFFFE003, lr  }
0x1b: {  	s9 =	sadd.s32 $0xFFFFFEF7, lr;
	s5 =	simm.s32 $0xFFFFFFFF;
	p2 =	slt.u32 s8, $0xFFFFF086  }
0x1c: {  	p1 =	slt.u32 s9, $0xF7A;
	s5 =	simm.s32 @!p2 $0x0  }
0x1d: {  	s5 =	simm.s32 @p1 $0x1;
	p0 =	seq.s32 s7, s2  }
0x1e: {  	s7 =	smul.u32 @!p0 $0xF7A, s2;
	p2 =	seq.s32 @!p0 s5, $0x0  }
0x1f: {  	s9 =	smul.u32 $0xF7A, s1;
	s8 =	simm.s32 @!p0 $0x1BF5;
	p2 =	por !p2, p0  }
0x20: {  	[sflag:s8] =	ssyncset.s32 @!p0 $0xFFFFF086;
	s6 =	sadd.s32 @!p0 s3, s7;
	s7 =	simm.s32 @!p0 $0x108  }
0x21: {  	s3 =	sadd.s32 s3, s9;
	s6 =	sadd.s32 @!p0 $0x88, s6;
	s7 =	simm.s32 @p2 $0x1082  }
0x22: {  	[simem:s7], [sflag:s8] =	dma.local @!p0 [hbm:s6], $0xF7A  }
0x23: {  	s9 =	sor.u32 $0xD0000000, s2;
	s6 =	simm.s32 $0x108;
	_ =	swait.ge @!p0 [sflag:s8], $0x0  }
0x24: {  	s3 =	sadd.s32 $0x88, s3;
	s6 =	simm.s32 @!p1 $0x1082;
	[sflag:s4] =	ssyncset.s32 $0xFFFFF086  }
0x25: {  	[simem:s6], [sflag:s4] =	dma.local [hbm:s3], $0xF7A  }
0x26: {  	[smem:$0x3F9F] =	sst s1;
	(tag) =	ssettag s2;
	_ =	strace s9  }
0x27: {  	s1 =	sld [smem:$0x3FAF]  }
0x28: {  	s2 =	sld [smem:$0x3FB0]  }
0x29: {  	s4 =	sld [smem:$0x3FB2]  }
0x2a: {  	p0 =	seq.s32 s5, $0x0;
	s5 =	sld [smem:$0x3FB3]  }
0x2b: {  	s6 =	sld [smem:$0x3FB4]  }
0x2c: {  	s7 =	sld [smem:$0x3FB5]  }
0x2d: {  	s3 =	simm.s32 $0x108;
	s8 =	sld [smem:$0x3FB6]  }
0x2e: {  	s3 =	simm.s32 @!p0 $0x1082;
	s9 =	sld [smem:$0x3FB7]  }
0x2f: {  	lr =	sadd.s32 s0, s3;
	s0 =	sld [smem:$0x3FAE]  }
0x30: {  	s3 =	sld [smem:$0x3FB1]  }
0x31: {  	[smem:$0x3FBA] =	sst s10  }
0x32: {  	s10 =	sld [smem:$0x3FB8];
	_ =	sdelay $0x3  }
0x33: {  	p0 =	seq.s32 s10, $0x1;
	s10 =	sld [smem:$0x3FBA];
	_ =	sdelay $0x3  }
0x34: {  	[smem:$0x3FBA] =	sst s10  }
0x35: {  	s10 =	sld [smem:$0x3FB9];
	_ =	sdelay $0x3  }
0x36: {  	p1 =	seq.s32 s10, $0x1;
	s10 =	sld [smem:$0x3FBA];
	_ =	sdelay $0x3  }
0x37: {  	[smem:$0x3FBA] =	sst s10  }
0x38: {  	s10 =	sld [smem:$0x3FBB]  }
0x39: {  	_ = 	snop;
	(pc) =	sbr.ind lr, $3  }
0x3a: {  	_ = 	snop  }
0x3b: {  	_ = 	snop  }
0x3c: {  	p2 =	seq.s32 s10, $0x1;
	s10 =	sld [smem:$0x3FBA]  }
0x3d: {  	_ =	shalt  }
0x3e: {  	_ =	shalt  }
0x3f: {  	_ =	shalt  }
0x40: {  	_ =	shalt  }
0x41: {  	_ =	shalt  }
0x42: {  	_ =	shalt  }
0x43: {  	_ =	shalt  }
0x44: {  	_ =	shalt  }
0x45: {  	_ =	shalt  }
0x46: {  	_ =	shalt  }
0x47: {  	_ =	shalt  }
0x48: {  	_ =	shalt  }
0x49: {  	_ =	shalt  }
0x4a: {  	_ =	shalt  }
0x4b: {  	_ =	shalt  }
0x4c: {  	_ =	shalt  }
0x4d: {  	_ =	shalt  }
0x4e: {  	_ =	shalt  }
0x4f: {  	_ =	shalt  }
0x50: {  	_ =	shalt  }
0x51: {  	_ =	shalt  }
0x52: {  	_ =	shalt  }
0x53: {  	_ =	shalt  }
0x54: {  	_ =	shalt  }
0x55: {  	_ =	shalt  }
0x56: {  	_ =	shalt  }
0x57: {  	_ =	shalt  }
0x58: {  	_ =	shalt  }
0x59: {  	_ =	shalt  }
0x5a: {  	_ =	shalt  }
0x5b: {  	_ =	shalt  }
0x5c: {  	_ =	shalt  }
0x5d: {  	_ =	shalt  }
0x5e: {  	_ =	shalt  }
0x5f: {  	_ =	shalt  }
0x60: {  	_ =	shalt  }
0x61: {  	_ =	shalt  }
0x62: {  	_ =	shalt  }
0x63: {  	_ =	shalt  }
0x64: {  	_ =	shalt  }
0x65: {  	_ =	shalt  }
0x66: {  	_ =	shalt  }
0x67: {  	_ =	shalt  }
0x68: {  	_ =	shalt  }
0x69: {  	_ =	shalt  }
0x6a: {  	_ =	shalt  }
0x6b: {  	_ =	shalt  }
0x6c: {  	_ =	shalt  }
0x6d: {  	_ =	shalt  }
0x6e: {  	_ =	shalt  }
0x6f: {  	_ =	shalt  }
0x70: {  	_ =	shalt  }
0x71: {  	_ =	shalt  }
0x72: {  	_ =	shalt  }
0x73: {  	_ =	shalt  }
0x74: {  	_ =	shalt  }
0x75: {  	_ =	shalt  }
0x76: {  	_ =	shalt  }
0x77: {  	_ =	shalt  }
0x78: {  	_ =	shalt  }
0x79: {  	_ =	shalt  }
0x7a: {  	_ =	shalt  }
0x7b: {  	_ =	shalt  }
0x7c: {  	_ =	shalt  }
0x7d: {  	_ =	shalt  }
0x7e: {  	_ =	shalt  }
0x7f: {  	_ =	shalt  }
0x80: {  	_ =	shalt  }
0x81: {  	_ =	shalt  }
0x82: {  	_ =	shalt  }
0x83: {  	_ =	shalt  }
0x84: {  	_ =	shalt  }
0x85: {  	_ =	shalt  }
0x86: {  	_ =	shalt  }
0x87: {  	_ =	shalt  }
.Lfunc_end0:
.L_simem_size_0:
called_computation_lowered:
.L_overlay_start_0:
0x88: {  	s2 =	sld [smem:$0x3FD9]  }
0x89: {  	s3 =	sld [smem:$0x3FFE];
	_ =	sdelay $0x1  }
0x8a: {  	s1 =	srdreg.scid  }
0x8b: {  	s0 =	sand.u32 $0x1, s1  }
0x8c: {  	s16 =	sshll.u32 s0, $0xA;
	s2 =	sadd.s32 s3, s2  }
0x8d: {  	s2 =	sadd.s32 s2, s16  }
0x8e: {  	[smem:$0x3FC6] =	sst s2  }
0x8f: {  	_ = 	snop  }
0x90: {  	(tm) =	ssettm $0x1  }
0x91: {  	s17 =	sld [smem:$0x3FFB];
	_ =	sdelay $0x3  }
0x92: {  	_ =	strace s17  }
0x93: {  	s2 =	sld [smem:$0x3FFC];
	_ =	sdelay $0x3  }
0x94: {  	_ =	strace s2  }
0x95: {  	s2 =	sld [smem:$0x3FFD];
	_ =	sdelay $0x3  }
0x96: {  	_ =	strace s2  }
0x97: {  	_ =	strace $0x8FFFFFFF  }
0x98: {  	s18 =	sld [smem:$0x3FDB];
	_ =	sdelay $0x1  }
0x99: {  	s19 =	simm.s32 $_scs_section_size  }
0x9a: {  	s4 =	simm.s32 $_size__tile_overlayer_lowered;
	s5 =	simm.s32 $_tile_overlayer_lowered  }
0x9b: {  	s22 =	simm.s32 $0x1BFF;
	s21 =	sshll.u32 s5, $0x1;
	s2 =	sadd.s32 s19, s18  }
0x9c: {  	s6 =	simm.s32 $0x0;
	s20 =	sshll.u32 s4, $0x1;
	s4 =	sadd.s32 s21, s2  }
0x9d: {  	[timem:s6], [sflag:s22] =	dma.local [hbm:s4], s20  }
0x9e: {  	_ =	swait.ge [sflag:s22], s20  }
0x9f: {  	s3 =	ssub.s32 $0x0, s20;
	[sflag:s22] =	ssyncset.done $0x0  }
0xa0: {  	[sflag:s22] =	ssyncadd.s32 s3;
	_ =	sdelay $0x1  }
0xa1: {  	s23 =	simm.s32 $0x1B8B  }
0xa2: {  	_ =	swait.ge [sflag:s23], $0x1  }
0xa3: {  	[sflag:s23] =	ssyncset.done $0x0  }
0xa4: {  	s25 =	simm.s32 $0x1B8E;
	s24 =	sld [smem:$0x3FFE];
	[sflag:s23] =	ssyncadd.s32 $0xFFFFFFFF  }
0xa5: {  	s26 =	simm.s32 $execute0_lowered;
	[smem:$0x3FD2] =	sst s25  }
0xa6: {  	s4 =	sshll.u32 s26, $0x1;
	_ =	strace $0x80000046;
	[dreg:$0x1] =	wrdreg $0xFFFFFFFF  }
0xa7: {  	s28 =	simm.s32 $_size_execute0_lowered;
	s2 =	sadd.s32 s2, s4;
	[dreg:$0x0] =	wrdreg $0x0  }
0xa8: {  	s4 =	sshll.u32 s28, $0x1;
	[dreg:$0x2] =	wrdreg s2  }
0xa9: {  	[dreg:$0x3] =	wrdreg s4  }
0xaa: {  	[dreg:$0x4] =	wrdreg $0xC0  }
0xab: {  	_ =	task [dreg:s6], $0x5FFFF  }
0xac: {  	[dreg:$0x1] =	wrdreg $0xFFFFFFFF  }
0xad: {  	[dreg:$0x0] =	wrdreg $0x60  }
0xae: {  	[dreg:$0x2] =	wrdreg s24  }
0xaf: {  	[dreg:$0x3] =	wrdreg $0x9  }
0xb0: {  	_ =	task.clear_ibuf [dreg:s6], $0x4FFFF;
	_ =	strace $0x90000046  }
0xb1: {  	s29 =	simm.s32 $0x9;
	_ =	strace $0x80000048  }
0xb2: {  	_ =	swait.ge [sflag:s29], $0x1  }
0xb3: {  	[sflag:s29] =	ssyncadd.s32 $0xFFFFFFFF  }
0xb4: {  	_ =	strace $0x90000048  }
0xb5: {  	_ =	sfence  }
0xb6: {  	s30 =	sld [smem:$0x0];
	_ =	sdelay $0x2  }
0xb7: {  	s31 =	sshll.u32 s1, $0xD;
	s1 =	sshrl.u32 s1, $0x2  }
0xb8: {  	s3 =	sand.u32 $0x4000, s31;
	s1 =	sadd.s32 s1, s30  }
0xb9: {  	s0 =	sor.u32 s3, s0;
	s1 =	sshll.u32 s1, $0x11  }
0xba: {  	s0 =	sor.u32 s1, s0  }
0xbb: {  	s0 =	sadd.s32 $0x8F2B, s0  }
0xbc: {  	[sflag:s0] =	ssyncadd.remote.s32 $0x1  }
0xbd: {  	_ =	sfence.sel $0xFFFF  }
0xbe: {  	[dreg:$0x0] =	wrdreg $0xFFFFFFFF;
	(pc) =	sbr.abs _section_cstart, $3  }
0xbf: {  	[dreg:$0x1] =	wrdreg $0xFFFFFFFF  }
0xc0: {  	_ =	task.clear_ibuf [dreg:s6], $0x2FFFF;
	_ =	strace $0x9FFFFFFF  }
0xc1: {  	(tm) =	ssettm $0x7FFFFFFF  }
tec
execute0_lowered:
.L_overlay_start_1:
0x0: {  	(tag) =	ssettag $0x1  }
0x1: {  	s0 =	srdreg.scid;
	s2 =	stileid.u32  }
0x2: {  	s1 =	rddreg [dreg:$0x0];
	s9 =	simm.s32 $0x9;
	s11 =	simm.s32 $0x80  }
0x3: {  	s14 =	simm.s32 $0x1;
	s15 =	simm.s32 $0xD600;
	s16 =	simm.s32 $0x11600  }
0x4: {  	s17 =	simm.s32 $0x2;
	s18 =	simm.s32 $0xF600;
	s19 =	simm.s32 $0x13800  }
0x5: {  	s20 =	simm.s32 $0x3;
	s21 =	simm.s32 $0x15A00;
	s22 =	simm.s32 $0x4  }
0x6: {  	s23 =	simm.s32 $0x17C00;
	s26 =	simm.s32 $0x7;
	s28 =	simm.s32 $0x8  }
0x7: {  	s29 =	simm.s32 $0x0;
	s0 =	sand.u32 $0x1, s0;
	s3 =	sshll.u32 s2, $0x1  }
0x8: {  	s2 =	simm.s32 $0x0;
	s4 =	sor.u32 s0, s3;
	s0 =	ssub.s32 $0x2, s0  }
0x9: {  	[smem:$0x7FF] =	sst s2;
	s3 =	smul.u32 $0xC80, s4;
	s30 =	sshrl.u32 s0, $0x1  }
0xa: {  	v0 =	vlaneseq.u32;
	s5 =	sadd.s32 $0x800, s1;
	_ =	strace $0x80000047;
	s0 =	ssub.s32 s0, s30  }
0xb: {  	v0 =	vmul.u32 $0x88, v0;
	[dreg:$0x2] =	wrdreg s5;
	s6 =	sadd.s32 s3, s1;
	s0 =	smax.u32 s0, $0x1  }
0xc: {  	s5 =	sadd.s32 $0xDD600, s1;
	s31 =	sadd.s32 $0x1000, s6;
	[dreg:$0x4] =	wrdreg s0  }
0xd: {  	s7 =	sshll.u32 s4, $0x7;
	v1 =	vadd.s32 $0x880, v0;
	v2 =	vadd.s32 $0x1100, v0;
	v3 =	vadd.s32 $0x1980, v0;
	s3 =	sadd.s32 $0x1A000, s1;
	[dreg:$0x3] =	wrdreg s31  }
.LBB2_1:
0xe: {  	s0 =	rddreg [dreg:$0x3]  }
0xf: {  	[tilespmem:s2], [sflag:$0x9] =	stream.linear.gather [hbm4b:s0+s2], $0x6400, $0x38;
	[tilespmem:$0x19E00] =	vst v63  }
0x10: {  	_ =	swait.ge [sflag:s9], $0x6400  }
0x11: {  	[sflag:s9] =	ssyncset.done $0x0  }
0x12: {  	s1 =	simm.s32 $0x6400;
	s24 =	rddreg [dreg:$0x2];
	[sflag:s9] =	ssyncadd.s32 $0xFFFF9C00  }
0x13: {  	[tilespmem:s1], [sflag:$0x9] =	stream.linear.gather [hbm4b:s24+s2], $0x3200, $0x38;
	[tilespmem:$0x19E00] =	vst v63  }
0x14: {  	_ =	swait.ge [sflag:s9], $0x3200  }
0x15: {  	[sflag:s9] =	ssyncset.done $0x0  }
0x16: {  	s25 =	simm.s32 $0x9600;
	[sflag:s9] =	ssyncadd.s32 $0xFFFFCE00  }
0x17: {  	[tilespmem:s25], [sflag:$0x1] =	stream.indirect.gather [hbm4b:s3+s11], $0x40, s2, s11, $0xb8;
	[tilespmem:$0x19E00] =	vst v63  }
0x18: {  	s31 =	simm.s32 $0xB600;
	s30 =	simm.s32 $0x0  }
0x19: {  	[tilespmem:s31], [sflag:$0x2] =	stream.indirect.gather [hbm4b:s3+s11], $0x40, s11, s11, $0xb8;
	[tilespmem:$0x19E00] =	vst v63  }
.LBB2_2:
0x1a: {  	_ =	swait.ge [sflag:s14], $0x2000  }
0x1b: {  	p0 =	seq.s32 s30, $0x0;
	s0 =	sshll.u32 s30, $0x2;
	[sflag:s14] =	ssyncset.done $0x0  }
0x1c: {  	s1 =	simm.s32 @!p0 $0x7;
	s31 =	sor.u32 $0x2, s0;
	[sflag:s14] =	ssyncadd.s32 $0xFFFFE000  }
0x1d: {  	s4 =	sshll.u32 s31, $0x7;
	_ =	swait.ge @!p0 [sflag:s1], $0x2000  }
0x1e: {  	s24 =	sshll.u32 s30, $0x8;
	s13 =	sand.u32 $0x3FFFFF80, s4;
	[sflag:s1] =	ssyncset.done @!p0 $0x0  }
0x1f: {  	[sflag:s1] =	ssyncadd.s32 @!p0 $0xFFFFE000;
	s1 =	sand.u32 $0x3FFFFF00, s24  }
0x20: {  	[tilespmem:s15], [sflag:$0x3] =	stream.indirect.gather [hbm4b:s3+s11], $0x40, s13, s11, $0xb8;
	[tilespmem:$0x19E00] =	vst v63  }
0x21: {  	s6 =	simm.s32 $0x1;
	s4 =	simm.s32 $0x9640;
	v9 =	vld [tilespmem:s1+$0x6400]  }
0x22: {  	v4 =	vmov s6;
	v6 =	vld [tilespmem:s4+$0x0]  }
0x23: {  	v14 =	vand.u32 $0x7F, v4  }
0x24: {  	v8 =	vadd.s32 v0, v14  }
0x25: {  	s25 =	simm.s32 $0x0;
	v7 =	vld [tilespmem:s1+$0x6410]  }
0x26: {  	v4 =	vmov s25;
	v10 =	vld [tilespmem:s4+$0xFFFFFFC0]  }
0x27: {  	v18 =	vand.u32 $0x7E, v4;
	v5 =	vld [tilespmem:s1+$0x6420];
	v6 =	vadd.f32 v6, v9  }
0x28: {  	s8 =	simm.s32 $0x3;
	v11 =	vadd.s32 v0, v18;
	v4 =	vld [tilespmem:s1+$0x6430];
	s1 =	simm.s32 $0x96C0  }
0x29: {  	v12 =	vld [tilespmem:s1+$0x0];
	[tilespmem:v8+s16+$0x0] =	vst.idx.msk $0xffff, v6;
	v6 =	vmov s8  }
0x2a: {  	v6 =	vand.u32 $0x7F, v6;
	v13 =	vld [tilespmem:s4+$0x10]  }
0x2b: {  	v8 =	vadd.f32 v10, v9;
	v10 =	vadd.s32 v0, v6  }
0x2c: {  	s10 =	simm.s32 $0x2;
	v15 =	vadd.s32 v1, v14  }
0x2d: {  	[tilespmem:v11+s16+$0x0] =	vst.idx.msk $0xffff, v8;
	v8 =	vmov s10;
	v11 =	vld [tilespmem:s1+$0xFFFFFFC0]  }
0x2e: {  	v12 =	vadd.f32 v12, v9;
	v8 =	vand.u32 $0x7E, v8;
	v16 =	vld [tilespmem:s4+$0xFFFFFFD0]  }
0x2f: {  	s12 =	simm.s32 $0x5;
	s10 =	simm.s32 $0x9740;
	v17 =	vadd.s32 v0, v8;
	v13 =	vadd.f32 v13, v7  }
0x30: {  	v19 =	vld [tilespmem:s10+$0x0];
	[tilespmem:v10+s16+$0x0] =	vst.idx.msk $0xffff, v12;
	v12 =	vadd.s32 v1, v18;
	v10 =	vmov s12  }
0x31: {  	[tilespmem:v15+s16+$0x0] =	vst.idx.msk $0xffff, v13;
	v10 =	vand.u32 $0x7F, v10;
	v13 =	vld [tilespmem:s1+$0x10]  }
0x32: {  	v11 =	vadd.f32 v11, v9;
	v15 =	vadd.s32 v0, v10;
	v20 =	vld [tilespmem:s4+$0x20]  }
0x33: {  	s13 =	simm.s32 $0x4;
	v21 =	vadd.s32 v1, v6;
	v16 =	vadd.f32 v16, v7  }
0x34: {  	v22 =	vadd.s32 v2, v14;
	[tilespmem:v17+s16+$0x0] =	vst.idx.msk $0xffff, v11;
	v11 =	vmov s13;
	v17 =	vld [tilespmem:s10+$0xFFFFFFC0]  }
0x35: {  	v11 =	vand.u32 $0x7E, v11;
	[tilespmem:v12+s16+$0x0] =	vst.idx.msk $0xffff, v16;
	v12 =	vadd.f32 v19, v9;
	v16 =	vld [tilespmem:s1+$0xFFFFFFD0]  }
0x36: {  	s24 =	simm.s32 $0x7;
	s12 =	simm.s32 $0x97C0;
	v19 =	vadd.s32 v0, v11;
	v13 =	vadd.f32 v13, v7;
	v23 =	vld [tilespmem:s4+$0xFFFFFFE0]  }
0x37: {  	v24 =	vld [tilespmem:s12+$0x0];
	[tilespmem:v15+s16+$0x0] =	vst.idx.msk $0xffff, v12;
	v15 =	vadd.s32 v1, v8;
	v20 =	vadd.f32 v20, v5;
	v12 =	vmov s24  }
0x38: {  	[tilespmem:v21+s16+$0x0] =	vst.idx.msk $0xffff, v13;
	v21 =	vadd.s32 v2, v18;
	v12 =	vand.u32 $0x7F, v12;
	v25 =	vld [tilespmem:s10+$0x10]  }
0x39: {  	v13 =	vadd.f32 v17, v9;
	[tilespmem:v22+s16+$0x0] =	vst.idx.msk $0xffff, v20;
	v17 =	vadd.s32 v0, v12;
	v20 =	vld [tilespmem:s1+$0x20]  }
0x3a: {  	s25 =	simm.s32 $0x6;
	v26 =	vadd.s32 v1, v10;
	v16 =	vadd.f32 v16, v7;
	v27 =	vld [tilespmem:s4+$0x30]  }
0x3b: {  	v28 =	vadd.s32 v2, v6;
	[tilespmem:v19+s16+$0x0] =	vst.idx.msk $0xffff, v13;
	v13 =	vmov s25;
	v19 =	vadd.f32 v23, v5;
	v23 =	vld [tilespmem:s12+$0xFFFFFFC0]  }
0x3c: {  	v30 =	vadd.s32 v3, v14;
	v13 =	vand.u32 $0x7E, v13;
	v29 =	vld [tilespmem:s10+$0xFFFFFFD0];
	[tilespmem:v15+s16+$0x0] =	vst.idx.msk $0xffff, v16;
	v16 =	vadd.f32 v24, v9  }
0x3d: {  	[tilespmem:v21+s16+$0x0] =	vst.idx.msk $0xffff, v19;
	v21 =	vadd.s32 v0, v13;
	v14 =	vadd.f32 v25, v7;
	v15 =	vld [tilespmem:s1+$0xFFFFFFE0]  }
0x3e: {  	s6 =	simm.s32 $0x9840;
	s8 =	simm.s32 $0x9;
	v19 =	vadd.s32 v1, v11;
	[tilespmem:v17+s16+$0x0] =	vst.idx.msk $0xffff, v16;
	v20 =	vadd.f32 v20, v5;
	v16 =	vld [tilespmem:s4+$0xFFFFFFF0]  }
0x3f: {  	v22 =	vld [tilespmem:s6+$0x0];
	v24 =	vmov s8;
	v17 =	vadd.s32 v2, v8;
	[tilespmem:v26+s16+$0x0] =	vst.idx.msk $0xffff, v14;
	v27 =	vadd.f32 v27, v4  }
0x40: {  	v18 =	vadd.s32 v3, v18;
	v14 =	vand.u32 $0x7F, v24;
	v26 =	vadd.f32 v23, v9;
	v23 =	vld [tilespmem:s12+$0x10];
	[tilespmem:v28+s16+$0x0] =	vst.idx.msk $0xffff, v20  }
0x41: {  	s13 =	simm.s32 $0x9840;
	s8 =	simm.s32 $0x8;
	s4 =	simm.s32 $0xA;
	v24 =	vadd.s32 v0, v14;
	v25 =	vadd.f32 v29, v7;
	v20 =	vld [tilespmem:s10+$0x20];
	[tilespmem:v30+s16+$0x0] =	vst.idx.msk $0xffff, v27  }
.LBB2_3:
0x42: {  	p1 =	slt.u32 s4, $0x7E;
	[tilespmem:v21+s16+$0x0] =	vst.idx.msk $0xffff, v26;
	v26 =	vadd.s32 v1, v12;
	v15 =	vadd.f32 v15, v5;
	v27 =	vld [tilespmem:s1+$0x30];
	v28 =	vmov v11  }
0x43: {  	v21 =	vmov s8;
	v11 =	vmovc v13;
	s8 =	smov.u32 s4;
	v29 =	vld [tilespmem:s6+$0xFFFFFFC0];
	[tilespmem:v19+s16+$0x0] =	vst.idx.msk $0xffff, v25;
	v25 =	vadd.s32 v2, v10;
	v16 =	vadd.f32 v16, v4  }
0x44: {  	v31 =	vadd.s32 v3, v6;
	v13 =	vand.u32 $0x7E, v21;
	v19 =	vadd.f32 v22, v9;
	v30 =	vld [tilespmem:s12+$0xFFFFFFD0];
	[tilespmem:v17+s16+$0x0] =	vst.idx.msk $0xffff, v15  }
.Ltmp0:
0x45: {  	v6 =	vmov v10;
	v21 =	vadd.s32 v0, v13;
	v17 =	vadd.f32 v23, v7;
	v15 =	vld [tilespmem:s10+$0xFFFFFFE0];
	[tilespmem:v18+s16+$0x0] =	vst.idx.msk $0xffff, v16;
	(pc) =	sbr.rel @p1 .LBB2_3-.Ltmp0, $4  }
0x46: {  	s24 =	sadd.s32 $0x1, s4;
	s6 =	sadd.s32 $0x80, s6;
	v10 =	vmov v12;
	[tilespmem:v24+s16+$0x0] =	vst.idx.msk $0xffff, v19;
	v19 =	vadd.s32 v1, v11;
	v18 =	vadd.f32 v20, v5;
	v16 =	vld [tilespmem:s1+$0xFFFFFFF0];
	s1 =	smov.u32 s10  }
0x47: {  	v12 =	vmovc v14;
	v20 =	vmov s24;
	s10 =	smov.u32 s12;
	s12 =	smov.u32 s13;
	s13 =	smov.u32 s6;
	v22 =	vld [tilespmem:s6+$0x0];
	[tilespmem:v26+s16+$0x0] =	vst.idx.msk $0xffff, v17;
	v17 =	vadd.s32 v2, v28;
	v27 =	vadd.f32 v27, v4  }
0x48: {  	v14 =	vand.u32 $0x7F, v20;
	v26 =	vadd.f32 v29, v9;
	v23 =	vld [tilespmem:s12+$0x10];
	[tilespmem:v25+s16+$0x0] =	vst.idx.msk $0xffff, v18;
	v18 =	vadd.s32 v3, v8  }
0x49: {  	s4 =	sadd.s32 $0x2, s4;
	v24 =	vadd.s32 v0, v14;
	v8 =	vmov v28;
	v25 =	vadd.f32 v30, v7;
	v20 =	vld [tilespmem:s10+$0x20];
	[tilespmem:v31+s16+$0x0] =	vst.idx.msk $0xffff, v27  }
0x4a: {  	v27 =	vmov s8;
	v28 =	vld [tilespmem:s6+$0xFFFFFFC0]  }
0x4b: {  	v27 =	vand.u32 $0x7E, v27  }
0x4c: {  	v29 =	vadd.s32 v0, v27;
	_ =	sdelay $0x1  }
0x4d: {  	v22 =	vadd.f32 v22, v9  }
0x4e: {  	[tilespmem:v21+s16+$0x0] =	vst.idx.msk $0xffff, v26;
	v57 =	vadd.f32 v28, v9  }
0x4f: {  	v21 =	vld [tilespmem:s12+$0xFFFFFFD0];
	[tilespmem:v24+s16+$0x0] =	vst.idx.msk $0xffff, v22  }
0x50: {  	v58 =	vadd.s32 v1, v12;
	v24 =	vld [tilespmem:s13+$0x10];
	[tilespmem:v29+s16+$0x0] =	vst.idx.msk $0xffff, v57  }
0x51: {  	v59 =	vadd.s32 v1, v13;
	v60 =	vld [tilespmem:s13+$0xFFFFFFD0]  }
0x52: {  	v61 =	vadd.s32 v1, v14  }
0x53: {  	v62 =	vadd.s32 v1, v27;
	v23 =	vadd.f32 v23, v7  }
0x54: {  	[tilespmem:v19+s16+$0x0] =	vst.idx.msk $0xffff, v25;
	v63 =	vadd.f32 v21, v7  }
0x55: {  	v30 =	vld [tilespmem:s10+$0xFFFFFFE0];
	[tilespmem:v58+s16+$0x0] =	vst.idx.msk $0xffff, v23;
	v31 =	vadd.f32 v24, v7  }
0x56: {  	v32 =	vadd.s32 v2, v10;
	v33 =	vld [tilespmem:s12+$0x20];
	[tilespmem:v59+s16+$0x0] =	vst.idx.msk $0xffff, v63;
	v34 =	vadd.f32 v60, v7  }
0x57: {  	v35 =	vadd.f32 v15, v5;
	v36 =	vadd.s32 v2, v11;
	v19 =	vld [tilespmem:s12+$0xFFFFFFE0];
	[tilespmem:v61+s16+$0x0] =	vst.idx.msk $0xffff, v31  }
0x58: {  	v37 =	vadd.s32 v2, v12;
	v16 =	vadd.f32 v16, v4;
	v38 =	vld [tilespmem:s13+$0x20];
	[tilespmem:v62+s16+$0x0] =	vst.idx.msk $0xffff, v34  }
0x59: {  	v40 =	vadd.s32 v2, v13;
	[tilespmem:v17+s16+$0x0] =	vst.idx.msk $0xffff, v35;
	v39 =	vadd.f32 v20, v5;
	v41 =	vld [tilespmem:s13+$0xFFFFFFE0]  }
0x5a: {  	v42 =	vld [tilespmem:s1+$0x30];
	v44 =	vadd.s32 v2, v14;
	[tilespmem:v18+s16+$0x0] =	vst.idx.msk $0xffff, v16;
	v43 =	vadd.f32 v30, v5  }
0x5b: {  	v47 =	vadd.s32 v2, v27;
	v45 =	vld [tilespmem:s1+$0xFFFFFFF0];
	[tilespmem:v32+s16+$0x0] =	vst.idx.msk $0xffff, v39;
	v46 =	vadd.f32 v33, v5  }
0x5c: {  	v6 =	vadd.s32 v3, v6;
	v48 =	vld [tilespmem:s10+$0x30];
	[tilespmem:v36+s16+$0x0] =	vst.idx.msk $0xffff, v43;
	v49 =	vadd.f32 v19, v5  }
0x5d: {  	v8 =	vadd.s32 v3, v8;
	v16 =	vld [tilespmem:s10+$0xFFFFFFF0];
	[tilespmem:v37+s16+$0x0] =	vst.idx.msk $0xffff, v46;
	v50 =	vadd.f32 v38, v5  }
0x5e: {  	v51 =	vadd.s32 v3, v10;
	v52 =	vld [tilespmem:s12+$0x30];
	[tilespmem:v40+s16+$0x0] =	vst.idx.msk $0xffff, v49;
	v5 =	vadd.f32 v41, v5  }
0x5f: {  	v54 =	vadd.s32 v3, v11;
	v53 =	vadd.f32 v42, v4;
	v15 =	vld [tilespmem:s12+$0xFFFFFFF0];
	[tilespmem:v44+s16+$0x0] =	vst.idx.msk $0xffff, v50  }
0x60: {  	v56 =	vadd.s32 v3, v12;
	v55 =	vadd.f32 v45, v4;
	v57 =	vld [tilespmem:s13+$0x30];
	[tilespmem:v47+s16+$0x0] =	vst.idx.msk $0xffff, v5  }
0x61: {  	v58 =	vadd.s32 v3, v13;
	[tilespmem:v6+s16+$0x0] =	vst.idx.msk $0xffff, v53;
	v5 =	vadd.f32 v48, v4;
	v59 =	vld [tilespmem:s13+$0xFFFFFFF0]  }
0x62: {  	[tilespmem:v8+s16+$0x0] =	vst.idx.msk $0xffff, v55;
	v61 =	vadd.s32 v3, v14;
	v60 =	vadd.f32 v16, v4  }
0x63: {  	v62 =	vadd.s32 v3, v27;
	[tilespmem:v51+s16+$0x0] =	vst.idx.msk $0xffff, v5;
	v5 =	vadd.f32 v52, v4  }
0x64: {  	s25 =	sshll.u32 s30, $0x14;
	[tilespmem:v54+s16+$0x0] =	vst.idx.msk $0xffff, v60;
	v63 =	vadd.f32 v15, v4  }
0x65: {  	s1 =	sor.u32 s7, s25;
	[tilespmem:v56+s16+$0x0] =	vst.idx.msk $0xffff, v5;
	v5 =	vadd.f32 v57, v4  }
0x66: {  	s1 =	sshrl.u32 s1, $0x3;
	[tilespmem:v58+s16+$0x0] =	vst.idx.msk $0xffff, v63;
	v4 =	vadd.f32 v59, v4  }
0x67: {  	s4 =	simm.s32 $0x11600;
	s1 =	sadd.s32 s5, s1;
	[tilespmem:v61+s16+$0x0] =	vst.idx.msk $0xffff, v5  }
0x68: {  	s6 =	simm.s32 $0x200;
	s8 =	simm.s32 $0x11688;
	s10 =	sadd.s32 $0x0, s1;
	[tilespmem:v62+s16+$0x0] =	vst.idx.msk $0xffff, v4  }
.LBB2_5:
0x69: {  	[hbm4b:s10+s2] =	stream.linear.scatter [tilespmem:s4], [sflag:$0x5], $0x80, $0x38;
	[tilespmem:$0x19E00] =	vst v63  }
0x6a: {  	s10 =	smov.u32 s6;
	s4 =	smov.u32 s8;
	p1 =	sne.s32 s6, $0x7E00  }
.Ltmp1:
0x6b: {  	s6 =	sadd.s32 $0x200, s6;
	(pc) =	sbr.rel @p1 .LBB2_5-.Ltmp1, $2  }
0x6c: {  	_ =	sdelay $0x2  }
0x6d: {  	s8 =	sadd.s32 $0x88, s8;
	s10 =	sadd.s32 s10, s1  }
0x6e: {  	[hbm4b:s10+s2] =	stream.linear.scatter [tilespmem:s4], [sflag:$0x5], $0x80, $0x38;
	[tilespmem:$0x19E00] =	vst v63  }
0x6f: {  	_ =	swait.ge [sflag:s17], $0x2000  }
0x70: {  	[sflag:s17] =	ssyncset.done $0x0  }
0x71: {  	s4 =	simm.s32 @!p0 $0x8;
	s1 =	sor.u32 $0x3, s0;
	[sflag:s17] =	ssyncadd.s32 $0xFFFFE000  }
0x72: {  	s0 =	sor.u32 $0x1, s0;
	s6 =	sshll.u32 s1, $0x7;
	_ =	swait.ge @!p0 [sflag:s4], $0x2000  }
0x73: {  	s24 =	sshll.u32 s0, $0x6;
	s13 =	sand.u32 $0x3FFFFF80, s6;
	[sflag:s4] =	ssyncset.done @!p0 $0x0  }
0x74: {  	s25 =	sand.u32 $0x3FFFFFC0, s24;
	[sflag:s4] =	ssyncadd.s32 @!p0 $0xFFFFE000  }
0x75: {  	[tilespmem:s18], [sflag:$0x4] =	stream.indirect.gather [hbm4b:s3+s11], $0x40, s13, s11, $0xb8;
	[tilespmem:$0x19E00] =	vst v63  }
0x76: {  	s8 =	simm.s32 $0x1;
	s4 =	simm.s32 $0xB670;
	v9 =	vld [tilespmem:s25+$0x6400]  }
0x77: {  	v4 =	vmov s8;
	v6 =	vld [tilespmem:s4+$0xFFFFFFD0]  }
0x78: {  	v14 =	vand.u32 $0x7F, v4  }
0x79: {  	v8 =	vadd.s32 v0, v14  }
0x7a: {  	s10 =	simm.s32 $0x0;
	v7 =	vld [tilespmem:s25+$0x6410]  }
0x7b: {  	v4 =	vmov s10;
	v10 =	vld [tilespmem:s4+$0xFFFFFF90]  }
0x7c: {  	v18 =	vand.u32 $0x7E, v4;
	v5 =	vld [tilespmem:s25+$0x6420];
	v6 =	vadd.f32 v6, v9  }
0x7d: {  	s12 =	simm.s32 $0x3;
	s10 =	simm.s32 $0xB6F0;
	v11 =	vadd.s32 v0, v18;
	v4 =	vld [tilespmem:s25+$0x6430]  }
0x7e: {  	v12 =	vld [tilespmem:s10+$0xFFFFFFD0];
	[tilespmem:v8+s19+$0x0] =	vst.idx.msk $0xffff, v6;
	v6 =	vmov s12  }
0x7f: {  	v6 =	vand.u32 $0x7F, v6;
	v13 =	vld [tilespmem:s4+$0xFFFFFFE0]  }
0x80: {  	v8 =	vadd.f32 v10, v9;
	v10 =	vadd.s32 v0, v6  }
0x81: {  	v15 =	vadd.s32 v1, v14;
	s13 =	simm.s32 $0x2  }
0x82: {  	[tilespmem:v11+s19+$0x0] =	vst.idx.msk $0xffff, v8;
	v8 =	vmov s13;
	v11 =	vld [tilespmem:s10+$0xFFFFFF90]  }
0x83: {  	v12 =	vadd.f32 v12, v9;
	v8 =	vand.u32 $0x7E, v8;
	v16 =	vld [tilespmem:s4+$0xFFFFFFA0]  }
0x84: {  	s24 =	simm.s32 $0x5;
	s12 =	simm.s32 $0xB770;
	v17 =	vadd.s32 v0, v8;
	v13 =	vadd.f32 v13, v7  }
0x85: {  	v19 =	vld [tilespmem:s12+$0xFFFFFFD0];
	[tilespmem:v10+s19+$0x0] =	vst.idx.msk $0xffff, v12;
	v12 =	vadd.s32 v1, v18;
	v10 =	vmov s24  }
0x86: {  	[tilespmem:v15+s19+$0x0] =	vst.idx.msk $0xffff, v13;
	v10 =	vand.u32 $0x7F, v10;
	v13 =	vld [tilespmem:s10+$0xFFFFFFE0]  }
0x87: {  	v11 =	vadd.f32 v11, v9;
	v15 =	vadd.s32 v0, v10;
	v20 =	vld [tilespmem:s4+$0xFFFFFFF0]  }
0x88: {  	s25 =	simm.s32 $0x4;
	v21 =	vadd.s32 v1, v6;
	v16 =	vadd.f32 v16, v7  }
0x89: {  	v22 =	vadd.s32 v2, v14;
	[tilespmem:v17+s19+$0x0] =	vst.idx.msk $0xffff, v11;
	v11 =	vmov s25;
	v17 =	vld [tilespmem:s12+$0xFFFFFF90]  }
0x8a: {  	v11 =	vand.u32 $0x7E, v11;
	[tilespmem:v12+s19+$0x0] =	vst.idx.msk $0xffff, v16;
	v12 =	vadd.f32 v19, v9;
	v16 =	vld [tilespmem:s10+$0xFFFFFFA0]  }
0x8b: {  	s8 =	simm.s32 $0x7;
	s13 =	simm.s32 $0xB7F0;
	v19 =	vadd.s32 v0, v11;
	v13 =	vadd.f32 v13, v7;
	v23 =	vld [tilespmem:s4+$0xFFFFFFB0]  }
0x8c: {  	v24 =	vld [tilespmem:s13+$0xFFFFFFD0];
	[tilespmem:v15+s19+$0x0] =	vst.idx.msk $0xffff, v12;
	v15 =	vadd.s32 v1, v8;
	v20 =	vadd.f32 v20, v5;
	v12 =	vmov s8  }
0x8d: {  	[tilespmem:v21+s19+$0x0] =	vst.idx.msk $0xffff, v13;
	v21 =	vadd.s32 v2, v18;
	v12 =	vand.u32 $0x7F, v12;
	v25 =	vld [tilespmem:s12+$0xFFFFFFE0]  }
0x8e: {  	v13 =	vadd.f32 v17, v9;
	[tilespmem:v22+s19+$0x0] =	vst.idx.msk $0xffff, v20;
	v17 =	vadd.s32 v0, v12;
	v20 =	vld [tilespmem:s10+$0xFFFFFFF0]  }
0x8f: {  	s24 =	simm.s32 $0x6;
	v26 =	vadd.s32 v1, v10;
	v16 =	vadd.f32 v16, v7;
	v27 =	vld [tilespmem:s4+$0x0]  }
0x90: {  	v28 =	vadd.s32 v2, v6;
	[tilespmem:v19+s19+$0x0] =	vst.idx.msk $0xffff, v13;
	v13 =	vmov s24;
	v19 =	vadd.f32 v23, v5;
	v23 =	vld [tilespmem:s13+$0xFFFFFF90]  }
0x91: {  	v30 =	vadd.s32 v3, v14;
	v13 =	vand.u32 $0x7E, v13;
	v29 =	vld [tilespmem:s12+$0xFFFFFFA0];
	[tilespmem:v15+s19+$0x0] =	vst.idx.msk $0xffff, v16;
	v16 =	vadd.f32 v24, v9  }
0x92: {  	[tilespmem:v21+s19+$0x0] =	vst.idx.msk $0xffff, v19;
	v21 =	vadd.s32 v0, v13;
	v14 =	vadd.f32 v25, v7;
	v15 =	vld [tilespmem:s10+$0xFFFFFFB0]  }
0x93: {  	s6 =	simm.s32 $0xB870;
	s25 =	simm.s32 $0x9;
	v19 =	vadd.s32 v1, v11;
	[tilespmem:v17+s19+$0x0] =	vst.idx.msk $0xffff, v16;
	v20 =	vadd.f32 v20, v5;
	v16 =	vld [tilespmem:s4+$0xFFFFFFC0]  }
0x94: {  	v22 =	vld [tilespmem:s6+$0xFFFFFFD0];
	v24 =	vmov s25;
	v17 =	vadd.s32 v2, v8;
	[tilespmem:v26+s19+$0x0] =	vst.idx.msk $0xffff, v14;
	v27 =	vadd.f32 v27, v4  }
0x95: {  	v18 =	vadd.s32 v3, v18;
	v14 =	vand.u32 $0x7F, v24;
	v26 =	vadd.f32 v23, v9;
	v23 =	vld [tilespmem:s13+$0xFFFFFFE0];
	[tilespmem:v28+s19+$0x0] =	vst.idx.msk $0xffff, v20  }
0x96: {  	s8 =	simm.s32 $0xA;
	s24 =	simm.s32 $0x8;
	s4 =	simm.s32 $0xB870;
	v24 =	vadd.s32 v0, v14;
	v25 =	vadd.f32 v29, v7;
	v20 =	vld [tilespmem:s12+$0xFFFFFFF0];
	[tilespmem:v30+s19+$0x0] =	vst.idx.msk $0xffff, v27  }
.LBB2_7:
0x97: {  	p0 =	slt.u32 s8, $0x7E;
	[tilespmem:v21+s19+$0x0] =	vst.idx.msk $0xffff, v26;
	v26 =	vadd.s32 v1, v12;
	v15 =	vadd.f32 v15, v5;
	v27 =	vld [tilespmem:s10+$0x0];
	v28 =	vmov v11  }
0x98: {  	v21 =	vmov s24;
	v11 =	vmovc v13;
	s24 =	smov.u32 s8;
	v29 =	vld [tilespmem:s6+$0xFFFFFF90];
	[tilespmem:v19+s19+$0x0] =	vst.idx.msk $0xffff, v25;
	v25 =	vadd.s32 v2, v10;
	v16 =	vadd.f32 v16, v4  }
0x99: {  	v31 =	vadd.s32 v3, v6;
	v13 =	vand.u32 $0x7E, v21;
	v19 =	vadd.f32 v22, v9;
	v30 =	vld [tilespmem:s13+$0xFFFFFFA0];
	[tilespmem:v17+s19+$0x0] =	vst.idx.msk $0xffff, v15  }
.Ltmp2:
0x9a: {  	v6 =	vmov v10;
	v21 =	vadd.s32 v0, v13;
	v17 =	vadd.f32 v23, v7;
	v15 =	vld [tilespmem:s12+$0xFFFFFFB0];
	[tilespmem:v18+s19+$0x0] =	vst.idx.msk $0xffff, v16;
	(pc) =	sbr.rel @p0 .LBB2_7-.Ltmp2, $4  }
0x9b: {  	s25 =	sadd.s32 $0x1, s8;
	s6 =	sadd.s32 $0x80, s6;
	v10 =	vmov v12;
	[tilespmem:v24+s19+$0x0] =	vst.idx.msk $0xffff, v19;
	v19 =	vadd.s32 v1, v11;
	v18 =	vadd.f32 v20, v5;
	v16 =	vld [tilespmem:s10+$0xFFFFFFC0];
	s10 =	smov.u32 s12  }
0x9c: {  	v12 =	vmovc v14;
	v20 =	vmov s25;
	s12 =	smov.u32 s13;
	s13 =	smov.u32 s4;
	s4 =	smov.u32 s6;
	v22 =	vld [tilespmem:s6+$0xFFFFFFD0];
	[tilespmem:v26+s19+$0x0] =	vst.idx.msk $0xffff, v17;
	v17 =	vadd.s32 v2, v28;
	v27 =	vadd.f32 v27, v4  }
0x9d: {  	v14 =	vand.u32 $0x7F, v20;
	v26 =	vadd.f32 v29, v9;
	v23 =	vld [tilespmem:s13+$0xFFFFFFE0];
	[tilespmem:v25+s19+$0x0] =	vst.idx.msk $0xffff, v18;
	v18 =	vadd.s32 v3, v8  }
0x9e: {  	s8 =	sadd.s32 $0x2, s8;
	v24 =	vadd.s32 v0, v14;
	v8 =	vmov v28;
	v25 =	vadd.f32 v30, v7;
	v20 =	vld [tilespmem:s12+$0xFFFFFFF0];
	[tilespmem:v31+s19+$0x0] =	vst.idx.msk $0xffff, v27  }
0x9f: {  	v27 =	vmov s24;
	v28 =	vld [tilespmem:s6+$0xFFFFFF90]  }
0xa0: {  	v27 =	vand.u32 $0x7E, v27  }
0xa1: {  	v29 =	vadd.s32 v0, v27;
	_ =	sdelay $0x1  }
0xa2: {  	v22 =	vadd.f32 v22, v9  }
0xa3: {  	[tilespmem:v21+s19+$0x0] =	vst.idx.msk $0xffff, v26;
	v57 =	vadd.f32 v28, v9  }
0xa4: {  	v21 =	vld [tilespmem:s13+$0xFFFFFFA0];
	[tilespmem:v24+s19+$0x0] =	vst.idx.msk $0xffff, v22  }
0xa5: {  	v58 =	vadd.s32 v1, v12;
	v24 =	vld [tilespmem:s4+$0xFFFFFFE0];
	[tilespmem:v29+s19+$0x0] =	vst.idx.msk $0xffff, v57  }
0xa6: {  	v59 =	vadd.s32 v1, v13;
	v60 =	vld [tilespmem:s4+$0xFFFFFFA0]  }
0xa7: {  	v61 =	vadd.s32 v1, v14  }
0xa8: {  	v62 =	vadd.s32 v1, v27;
	v23 =	vadd.f32 v23, v7  }
0xa9: {  	[tilespmem:v19+s19+$0x0] =	vst.idx.msk $0xffff, v25;
	v63 =	vadd.f32 v21, v7  }
0xaa: {  	v30 =	vld [tilespmem:s12+$0xFFFFFFB0];
	[tilespmem:v58+s19+$0x0] =	vst.idx.msk $0xffff, v23;
	v31 =	vadd.f32 v24, v7  }
0xab: {  	v32 =	vadd.s32 v2, v10;
	v33 =	vld [tilespmem:s13+$0xFFFFFFF0];
	[tilespmem:v59+s19+$0x0] =	vst.idx.msk $0xffff, v63;
	v34 =	vadd.f32 v60, v7  }
0xac: {  	v35 =	vadd.f32 v15, v5;
	v36 =	vadd.s32 v2, v11;
	v19 =	vld [tilespmem:s13+$0xFFFFFFB0];
	[tilespmem:v61+s19+$0x0] =	vst.idx.msk $0xffff, v31  }
0xad: {  	v37 =	vadd.s32 v2, v12;
	v16 =	vadd.f32 v16, v4;
	v38 =	vld [tilespmem:s4+$0xFFFFFFF0];
	[tilespmem:v62+s19+$0x0] =	vst.idx.msk $0xffff, v34  }
0xae: {  	v40 =	vadd.s32 v2, v13;
	[tilespmem:v17+s19+$0x0] =	vst.idx.msk $0xffff, v35;
	v39 =	vadd.f32 v20, v5;
	v41 =	vld [tilespmem:s4+$0xFFFFFFB0]  }
0xaf: {  	v42 =	vld [tilespmem:s10+$0x0];
	v44 =	vadd.s32 v2, v14;
	[tilespmem:v18+s19+$0x0] =	vst.idx.msk $0xffff, v16;
	v43 =	vadd.f32 v30, v5  }
0xb0: {  	v47 =	vadd.s32 v2, v27;
	v45 =	vld [tilespmem:s10+$0xFFFFFFC0];
	[tilespmem:v32+s19+$0x0] =	vst.idx.msk $0xffff, v39;
	v46 =	vadd.f32 v33, v5  }
0xb1: {  	v6 =	vadd.s32 v3, v6;
	v48 =	vld [tilespmem:s12+$0x0];
	[tilespmem:v36+s19+$0x0] =	vst.idx.msk $0xffff, v43;
	v49 =	vadd.f32 v19, v5  }
0xb2: {  	v8 =	vadd.s32 v3, v8;
	v16 =	vld [tilespmem:s12+$0xFFFFFFC0];
	[tilespmem:v37+s19+$0x0] =	vst.idx.msk $0xffff, v46;
	v50 =	vadd.f32 v38, v5  }
0xb3: {  	v51 =	vadd.s32 v3, v10;
	v52 =	vld [tilespmem:s13+$0x0];
	[tilespmem:v40+s19+$0x0] =	vst.idx.msk $0xffff, v49;
	v5 =	vadd.f32 v41, v5  }
0xb4: {  	v54 =	vadd.s32 v3, v11;
	v53 =	vadd.f32 v42, v4;
	v15 =	vld [tilespmem:s13+$0xFFFFFFC0];
	[tilespmem:v44+s19+$0x0] =	vst.idx.msk $0xffff, v50  }
0xb5: {  	v56 =	vadd.s32 v3, v12;
	v55 =	vadd.f32 v45, v4;
	v57 =	vld [tilespmem:s4+$0x0];
	[tilespmem:v47+s19+$0x0] =	vst.idx.msk $0xffff, v5  }
0xb6: {  	v58 =	vadd.s32 v3, v13;
	[tilespmem:v6+s19+$0x0] =	vst.idx.msk $0xffff, v53;
	v5 =	vadd.f32 v48, v4;
	v59 =	vld [tilespmem:s4+$0xFFFFFFC0]  }
0xb7: {  	[tilespmem:v8+s19+$0x0] =	vst.idx.msk $0xffff, v55;
	v61 =	vadd.s32 v3, v14;
	v60 =	vadd.f32 v16, v4  }
0xb8: {  	v62 =	vadd.s32 v3, v27;
	[tilespmem:v51+s19+$0x0] =	vst.idx.msk $0xffff, v5;
	v5 =	vadd.f32 v52, v4  }
0xb9: {  	s0 =	sshll.u32 s0, $0x12;
	[tilespmem:v54+s19+$0x0] =	vst.idx.msk $0xffff, v60;
	v63 =	vadd.f32 v15, v4  }
0xba: {  	s0 =	sor.u32 s7, s0;
	[tilespmem:v56+s19+$0x0] =	vst.idx.msk $0xffff, v5;
	v5 =	vadd.f32 v57, v4  }
0xbb: {  	s0 =	sshrl.u32 s0, $0x3;
	[tilespmem:v58+s19+$0x0] =	vst.idx.msk $0xffff, v63;
	v4 =	vadd.f32 v59, v4  }
0xbc: {  	s6 =	simm.s32 $0x200;
	s0 =	sadd.s32 s5, s0;
	[tilespmem:v61+s19+$0x0] =	vst.idx.msk $0xffff, v5  }
0xbd: {  	s8 =	simm.s32 $0x13888;
	s10 =	sadd.s32 $0x0, s0;
	s4 =	simm.s32 $0x13800;
	[tilespmem:v62+s19+$0x0] =	vst.idx.msk $0xffff, v4  }
.LBB2_9:
0xbe: {  	[hbm4b:s10+s2] =	stream.linear.scatter [tilespmem:s4], [sflag:$0x6], $0x80, $0x38;
	[tilespmem:$0x19E00] =	vst v63  }
0xbf: {  	s10 =	smov.u32 s6;
	s4 =	smov.u32 s8;
	p0 =	sne.s32 s6, $0x7E00  }
.Ltmp3:
0xc0: {  	s6 =	sadd.s32 $0x200, s6;
	(pc) =	sbr.rel @p0 .LBB2_9-.Ltmp3, $2  }
0xc1: {  	_ =	sdelay $0x2  }
0xc2: {  	s8 =	sadd.s32 $0x88, s8;
	s10 =	sadd.s32 s10, s0  }
0xc3: {  	[hbm4b:s10+s2] =	stream.linear.scatter [tilespmem:s4], [sflag:$0x6], $0x80, $0x38;
	[tilespmem:$0x19E00] =	vst v63  }
0xc4: {  	_ =	swait.ge [sflag:s20], $0x2000  }
0xc5: {  	p0 =	seq.s32 s30, $0x31;
	[sflag:s20] =	ssyncset.done $0x0  }
0xc6: {  	s0 =	simm.s32 @!p0 $0x5;
	[sflag:s20] =	ssyncadd.s32 $0xFFFFE000  }
0xc7: {  	_ =	swait.ge @!p0 [sflag:s0], $0x2000  }
0xc8: {  	s13 =	sshll.u32 s31, $0x6;
	s4 =	sshll.u32 @!p0 s30, $0x9;
	[sflag:s0] =	ssyncset.done @!p0 $0x0  }
0xc9: {  	s6 =	simm.s32 @!p0 $0x80;
	[sflag:s0] =	ssyncadd.s32 @!p0 $0xFFFFE000;
	s0 =	sand.u32 @!p0 $0x3FFFFE00, s4  }
0xca: {  	s8 =	simm.s32 @!p0 $0x9600;
	s24 =	sand.u32 $0x3FFFFFC0, s13;
	s4 =	sadd.s32 @!p0 $0x200, s0  }
0xcb: {  	[tilespmem:s8], [sflag:$0x1] =	stream.indirect.gather @!p0 [hbm4b:s3+s6], $0x40, s4, s6, $0xb8;
	[tilespmem:$0x19E00] =	vst v63  }
0xcc: {  	s25 =	simm.s32 $0x1;
	s4 =	simm.s32 $0xD670;
	v9 =	vld [tilespmem:s24+$0x6400]  }
0xcd: {  	v4 =	vmov s25;
	v6 =	vld [tilespmem:s4+$0xFFFFFFD0]  }
0xce: {  	v14 =	vand.u32 $0x7F, v4  }
0xcf: {  	v8 =	vadd.s32 v0, v14  }
0xd0: {  	s10 =	simm.s32 $0x0;
	v7 =	vld [tilespmem:s24+$0x6410]  }
0xd1: {  	v4 =	vmov s10;
	v10 =	vld [tilespmem:s4+$0xFFFFFF90]  }
0xd2: {  	v18 =	vand.u32 $0x7E, v4;
	v5 =	vld [tilespmem:s24+$0x6420];
	v6 =	vadd.f32 v6, v9  }
0xd3: {  	s12 =	simm.s32 $0x3;
	s10 =	simm.s32 $0xD6F0;
	v11 =	vadd.s32 v0, v18;
	v4 =	vld [tilespmem:s24+$0x6430]  }
0xd4: {  	v12 =	vld [tilespmem:s10+$0xFFFFFFD0];
	[tilespmem:v8+s21+$0x0] =	vst.idx.msk $0xffff, v6;
	v6 =	vmov s12  }
0xd5: {  	v6 =	vand.u32 $0x7F, v6;
	v13 =	vld [tilespmem:s4+$0xFFFFFFE0]  }
0xd6: {  	v8 =	vadd.f32 v10, v9;
	v10 =	vadd.s32 v0, v6  }
0xd7: {  	s13 =	simm.s32 $0x2;
	v15 =	vadd.s32 v1, v14  }
0xd8: {  	[tilespmem:v11+s21+$0x0] =	vst.idx.msk $0xffff, v8;
	v8 =	vmov s13;
	v11 =	vld [tilespmem:s10+$0xFFFFFF90]  }
0xd9: {  	v12 =	vadd.f32 v12, v9;
	v8 =	vand.u32 $0x7E, v8;
	v16 =	vld [tilespmem:s4+$0xFFFFFFA0]  }
0xda: {  	s24 =	simm.s32 $0x5;
	s12 =	simm.s32 $0xD770;
	v17 =	vadd.s32 v0, v8;
	v13 =	vadd.f32 v13, v7  }
0xdb: {  	v19 =	vld [tilespmem:s12+$0xFFFFFFD0];
	[tilespmem:v10+s21+$0x0] =	vst.idx.msk $0xffff, v12;
	v12 =	vadd.s32 v1, v18;
	v10 =	vmov s24  }
0xdc: {  	[tilespmem:v15+s21+$0x0] =	vst.idx.msk $0xffff, v13;
	v10 =	vand.u32 $0x7F, v10;
	v13 =	vld [tilespmem:s10+$0xFFFFFFE0]  }
0xdd: {  	v11 =	vadd.f32 v11, v9;
	v15 =	vadd.s32 v0, v10;
	v20 =	vld [tilespmem:s4+$0xFFFFFFF0]  }
0xde: {  	s25 =	simm.s32 $0x4;
	v21 =	vadd.s32 v1, v6;
	v16 =	vadd.f32 v16, v7  }
0xdf: {  	v22 =	vadd.s32 v2, v14;
	[tilespmem:v17+s21+$0x0] =	vst.idx.msk $0xffff, v11;
	v11 =	vmov s25;
	v17 =	vld [tilespmem:s12+$0xFFFFFF90]  }
0xe0: {  	v11 =	vand.u32 $0x7E, v11;
	[tilespmem:v12+s21+$0x0] =	vst.idx.msk $0xffff, v16;
	v12 =	vadd.f32 v19, v9;
	v16 =	vld [tilespmem:s10+$0xFFFFFFA0]  }
0xe1: {  	s8 =	simm.s32 $0x7;
	s13 =	simm.s32 $0xD7F0;
	v19 =	vadd.s32 v0, v11;
	v13 =	vadd.f32 v13, v7;
	v23 =	vld [tilespmem:s4+$0xFFFFFFB0]  }
0xe2: {  	v24 =	vld [tilespmem:s13+$0xFFFFFFD0];
	[tilespmem:v15+s21+$0x0] =	vst.idx.msk $0xffff, v12;
	v15 =	vadd.s32 v1, v8;
	v20 =	vadd.f32 v20, v5;
	v12 =	vmov s8  }
0xe3: {  	[tilespmem:v21+s21+$0x0] =	vst.idx.msk $0xffff, v13;
	v21 =	vadd.s32 v2, v18;
	v12 =	vand.u32 $0x7F, v12;
	v25 =	vld [tilespmem:s12+$0xFFFFFFE0]  }
0xe4: {  	v13 =	vadd.f32 v17, v9;
	[tilespmem:v22+s21+$0x0] =	vst.idx.msk $0xffff, v20;
	v17 =	vadd.s32 v0, v12;
	v20 =	vld [tilespmem:s10+$0xFFFFFFF0]  }
0xe5: {  	s24 =	simm.s32 $0x6;
	v26 =	vadd.s32 v1, v10;
	v16 =	vadd.f32 v16, v7;
	v27 =	vld [tilespmem:s4+$0x0]  }
0xe6: {  	v28 =	vadd.s32 v2, v6;
	[tilespmem:v19+s21+$0x0] =	vst.idx.msk $0xffff, v13;
	v13 =	vmov s24;
	v19 =	vadd.f32 v23, v5;
	v23 =	vld [tilespmem:s13+$0xFFFFFF90]  }
0xe7: {  	v30 =	vadd.s32 v3, v14;
	v13 =	vand.u32 $0x7E, v13;
	v29 =	vld [tilespmem:s12+$0xFFFFFFA0];
	[tilespmem:v15+s21+$0x0] =	vst.idx.msk $0xffff, v16;
	v16 =	vadd.f32 v24, v9  }
0xe8: {  	[tilespmem:v21+s21+$0x0] =	vst.idx.msk $0xffff, v19;
	v21 =	vadd.s32 v0, v13;
	v14 =	vadd.f32 v25, v7;
	v15 =	vld [tilespmem:s10+$0xFFFFFFB0]  }
0xe9: {  	s6 =	simm.s32 $0xD870;
	s25 =	simm.s32 $0x9;
	v19 =	vadd.s32 v1, v11;
	[tilespmem:v17+s21+$0x0] =	vst.idx.msk $0xffff, v16;
	v20 =	vadd.f32 v20, v5;
	v16 =	vld [tilespmem:s4+$0xFFFFFFC0]  }
0xea: {  	v22 =	vld [tilespmem:s6+$0xFFFFFFD0];
	v24 =	vmov s25;
	v17 =	vadd.s32 v2, v8;
	[tilespmem:v26+s21+$0x0] =	vst.idx.msk $0xffff, v14;
	v27 =	vadd.f32 v27, v4  }
0xeb: {  	v18 =	vadd.s32 v3, v18;
	v14 =	vand.u32 $0x7F, v24;
	v26 =	vadd.f32 v23, v9;
	v23 =	vld [tilespmem:s13+$0xFFFFFFE0];
	[tilespmem:v28+s21+$0x0] =	vst.idx.msk $0xffff, v20  }
0xec: {  	s8 =	simm.s32 $0xA;
	s24 =	simm.s32 $0x8;
	s4 =	simm.s32 $0xD870;
	v24 =	vadd.s32 v0, v14;
	v25 =	vadd.f32 v29, v7;
	v20 =	vld [tilespmem:s12+$0xFFFFFFF0];
	[tilespmem:v30+s21+$0x0] =	vst.idx.msk $0xffff, v27  }
.LBB2_11:
0xed: {  	p1 =	slt.u32 s8, $0x7E;
	[tilespmem:v21+s21+$0x0] =	vst.idx.msk $0xffff, v26;
	v26 =	vadd.s32 v1, v12;
	v15 =	vadd.f32 v15, v5;
	v27 =	vld [tilespmem:s10+$0x0];
	v28 =	vmov v11  }
0xee: {  	v21 =	vmov s24;
	v11 =	vmovc v13;
	s24 =	smov.u32 s8;
	v29 =	vld [tilespmem:s6+$0xFFFFFF90];
	[tilespmem:v19+s21+$0x0] =	vst.idx.msk $0xffff, v25;
	v25 =	vadd.s32 v2, v10;
	v16 =	vadd.f32 v16, v4  }
0xef: {  	v31 =	vadd.s32 v3, v6;
	v13 =	vand.u32 $0x7E, v21;
	v19 =	vadd.f32 v22, v9;
	v30 =	vld [tilespmem:s13+$0xFFFFFFA0];
	[tilespmem:v17+s21+$0x0] =	vst.idx.msk $0xffff, v15  }
.Ltmp4:
0xf0: {  	v6 =	vmov v10;
	v21 =	vadd.s32 v0, v13;
	v17 =	vadd.f32 v23, v7;
	v15 =	vld [tilespmem:s12+$0xFFFFFFB0];
	[tilespmem:v18+s21+$0x0] =	vst.idx.msk $0xffff, v16;
	(pc) =	sbr.rel @p1 .LBB2_11-.Ltmp4, $4  }
0xf1: {  	s25 =	sadd.s32 $0x1, s8;
	s6 =	sadd.s32 $0x80, s6;
	v10 =	vmov v12;
	[tilespmem:v24+s21+$0x0] =	vst.idx.msk $0xffff, v19;
	v19 =	vadd.s32 v1, v11;
	v18 =	vadd.f32 v20, v5;
	v16 =	vld [tilespmem:s10+$0xFFFFFFC0];
	s10 =	smov.u32 s12  }
0xf2: {  	v12 =	vmovc v14;
	v20 =	vmov s25;
	s12 =	smov.u32 s13;
	s13 =	smov.u32 s4;
	s4 =	smov.u32 s6;
	v22 =	vld [tilespmem:s6+$0xFFFFFFD0];
	[tilespmem:v26+s21+$0x0] =	vst.idx.msk $0xffff, v17;
	v17 =	vadd.s32 v2, v28;
	v27 =	vadd.f32 v27, v4  }
0xf3: {  	v14 =	vand.u32 $0x7F, v20;
	v26 =	vadd.f32 v29, v9;
	v23 =	vld [tilespmem:s13+$0xFFFFFFE0];
	[tilespmem:v25+s21+$0x0] =	vst.idx.msk $0xffff, v18;
	v18 =	vadd.s32 v3, v8  }
0xf4: {  	s8 =	sadd.s32 $0x2, s8;
	v24 =	vadd.s32 v0, v14;
	v8 =	vmov v28;
	v25 =	vadd.f32 v30, v7;
	v20 =	vld [tilespmem:s12+$0xFFFFFFF0];
	[tilespmem:v31+s21+$0x0] =	vst.idx.msk $0xffff, v27  }
0xf5: {  	v27 =	vmov s24;
	v28 =	vld [tilespmem:s6+$0xFFFFFF90]  }
0xf6: {  	v27 =	vand.u32 $0x7E, v27  }
0xf7: {  	v29 =	vadd.s32 v0, v27;
	_ =	sdelay $0x1  }
0xf8: {  	v22 =	vadd.f32 v22, v9  }
0xf9: {  	[tilespmem:v21+s21+$0x0] =	vst.idx.msk $0xffff, v26;
	v57 =	vadd.f32 v28, v9  }
0xfa: {  	v21 =	vld [tilespmem:s13+$0xFFFFFFA0];
	[tilespmem:v24+s21+$0x0] =	vst.idx.msk $0xffff, v22  }
0xfb: {  	v58 =	vadd.s32 v1, v12;
	v24 =	vld [tilespmem:s4+$0xFFFFFFE0];
	[tilespmem:v29+s21+$0x0] =	vst.idx.msk $0xffff, v57  }
0xfc: {  	v59 =	vadd.s32 v1, v13;
	v60 =	vld [tilespmem:s4+$0xFFFFFFA0]  }
0xfd: {  	v61 =	vadd.s32 v1, v14  }
0xfe: {  	v62 =	vadd.s32 v1, v27;
	v23 =	vadd.f32 v23, v7  }
0xff: {  	[tilespmem:v19+s21+$0x0] =	vst.idx.msk $0xffff, v25;
	v63 =	vadd.f32 v21, v7  }
0x100: {  	v30 =	vld [tilespmem:s12+$0xFFFFFFB0];
	[tilespmem:v58+s21+$0x0] =	vst.idx.msk $0xffff, v23;
	v31 =	vadd.f32 v24, v7  }
0x101: {  	v32 =	vadd.s32 v2, v10;
	v33 =	vld [tilespmem:s13+$0xFFFFFFF0];
	[tilespmem:v59+s21+$0x0] =	vst.idx.msk $0xffff, v63;
	v34 =	vadd.f32 v60, v7  }
0x102: {  	v35 =	vadd.f32 v15, v5;
	v36 =	vadd.s32 v2, v11;
	v19 =	vld [tilespmem:s13+$0xFFFFFFB0];
	[tilespmem:v61+s21+$0x0] =	vst.idx.msk $0xffff, v31  }
0x103: {  	v37 =	vadd.s32 v2, v12;
	v16 =	vadd.f32 v16, v4;
	v38 =	vld [tilespmem:s4+$0xFFFFFFF0];
	[tilespmem:v62+s21+$0x0] =	vst.idx.msk $0xffff, v34  }
0x104: {  	v40 =	vadd.s32 v2, v13;
	[tilespmem:v17+s21+$0x0] =	vst.idx.msk $0xffff, v35;
	v39 =	vadd.f32 v20, v5;
	v41 =	vld [tilespmem:s4+$0xFFFFFFB0]  }
0x105: {  	v42 =	vld [tilespmem:s10+$0x0];
	v44 =	vadd.s32 v2, v14;
	[tilespmem:v18+s21+$0x0] =	vst.idx.msk $0xffff, v16;
	v43 =	vadd.f32 v30, v5  }
0x106: {  	v47 =	vadd.s32 v2, v27;
	v45 =	vld [tilespmem:s10+$0xFFFFFFC0];
	[tilespmem:v32+s21+$0x0] =	vst.idx.msk $0xffff, v39;
	v46 =	vadd.f32 v33, v5  }
0x107: {  	v6 =	vadd.s32 v3, v6;
	v48 =	vld [tilespmem:s12+$0x0];
	[tilespmem:v36+s21+$0x0] =	vst.idx.msk $0xffff, v43;
	v49 =	vadd.f32 v19, v5  }
0x108: {  	v8 =	vadd.s32 v3, v8;
	v16 =	vld [tilespmem:s12+$0xFFFFFFC0];
	[tilespmem:v37+s21+$0x0] =	vst.idx.msk $0xffff, v46;
	v50 =	vadd.f32 v38, v5  }
0x109: {  	v51 =	vadd.s32 v3, v10;
	v52 =	vld [tilespmem:s13+$0x0];
	[tilespmem:v40+s21+$0x0] =	vst.idx.msk $0xffff, v49;
	v5 =	vadd.f32 v41, v5  }
0x10a: {  	v54 =	vadd.s32 v3, v11;
	v53 =	vadd.f32 v42, v4;
	v15 =	vld [tilespmem:s13+$0xFFFFFFC0];
	[tilespmem:v44+s21+$0x0] =	vst.idx.msk $0xffff, v50  }
0x10b: {  	v56 =	vadd.s32 v3, v12;
	v55 =	vadd.f32 v45, v4;
	v57 =	vld [tilespmem:s4+$0x0];
	[tilespmem:v47+s21+$0x0] =	vst.idx.msk $0xffff, v5  }
0x10c: {  	v58 =	vadd.s32 v3, v13;
	[tilespmem:v6+s21+$0x0] =	vst.idx.msk $0xffff, v53;
	v5 =	vadd.f32 v48, v4;
	v59 =	vld [tilespmem:s4+$0xFFFFFFC0]  }
0x10d: {  	[tilespmem:v8+s21+$0x0] =	vst.idx.msk $0xffff, v55;
	v61 =	vadd.s32 v3, v14;
	v60 =	vadd.f32 v16, v4  }
0x10e: {  	v62 =	vadd.s32 v3, v27;
	[tilespmem:v51+s21+$0x0] =	vst.idx.msk $0xffff, v5;
	v5 =	vadd.f32 v52, v4  }
0x10f: {  	s31 =	sshll.u32 s31, $0x12;
	[tilespmem:v54+s21+$0x0] =	vst.idx.msk $0xffff, v60;
	v63 =	vadd.f32 v15, v4  }
0x110: {  	s4 =	sor.u32 s7, s31;
	[tilespmem:v56+s21+$0x0] =	vst.idx.msk $0xffff, v5;
	v5 =	vadd.f32 v57, v4  }
0x111: {  	[tilespmem:v58+s21+$0x0] =	vst.idx.msk $0xffff, v63;
	s4 =	sshrl.u32 s4, $0x3;
	v4 =	vadd.f32 v59, v4  }
0x112: {  	s6 =	simm.s32 $0x15A00;
	s4 =	sadd.s32 s5, s4;
	[tilespmem:v61+s21+$0x0] =	vst.idx.msk $0xffff, v5  }
0x113: {  	s8 =	simm.s32 $0x200;
	s10 =	simm.s32 $0x15A88;
	s12 =	sadd.s32 $0x0, s4;
	[tilespmem:v62+s21+$0x0] =	vst.idx.msk $0xffff, v4  }
.LBB2_13:
0x114: {  	[hbm4b:s12+s2] =	stream.linear.scatter [tilespmem:s6], [sflag:$0x7], $0x80, $0x38;
	[tilespmem:$0x19E00] =	vst v63  }
0x115: {  	s12 =	smov.u32 s8;
	s6 =	smov.u32 s10;
	p1 =	sne.s32 s8, $0x7E00  }
.Ltmp5:
0x116: {  	s8 =	sadd.s32 $0x200, s8;
	(pc) =	sbr.rel @p1 .LBB2_13-.Ltmp5, $2  }
0x117: {  	_ =	sdelay $0x2  }
0x118: {  	s10 =	sadd.s32 $0x88, s10;
	s12 =	sadd.s32 s12, s4  }
0x119: {  	[hbm4b:s12+s2] =	stream.linear.scatter [tilespmem:s6], [sflag:$0x7], $0x80, $0x38;
	[tilespmem:$0x19E00] =	vst v63  }
0x11a: {  	_ =	swait.ge [sflag:s22], $0x2000  }
0x11b: {  	[sflag:s22] =	ssyncset.done $0x0  }
0x11c: {  	s4 =	simm.s32 @!p0 $0x6;
	[sflag:s22] =	ssyncadd.s32 $0xFFFFE000  }
0x11d: {  	_ =	swait.ge @!p0 [sflag:s4], $0x2000  }
0x11e: {  	s0 =	sadd.s32 @!p0 $0x280, s0;
	s6 =	simm.s32 @!p0 $0xB600;
	[sflag:s4] =	ssyncset.done @!p0 $0x0  }
0x11f: {  	s25 =	sshll.u32 s1, $0x6;
	[sflag:s4] =	ssyncadd.s32 @!p0 $0xFFFFE000;
	s4 =	simm.s32 @!p0 $0x80  }
0x120: {  	[tilespmem:s6], [sflag:$0x2] =	stream.indirect.gather @!p0 [hbm4b:s3+s4], $0x40, s0, s4, $0xb8;
	[tilespmem:$0x19E00] =	vst v63  }
0x121: {  	s0 =	sand.u32 $0x3FFFFFC0, s25  }
0x122: {  	s31 =	simm.s32 $0x1;
	s4 =	simm.s32 $0xF670;
	v9 =	vld [tilespmem:s0+$0x6400]  }
0x123: {  	v4 =	vmov s31;
	v6 =	vld [tilespmem:s4+$0xFFFFFFD0]  }
0x124: {  	v14 =	vand.u32 $0x7F, v4  }
0x125: {  	v8 =	vadd.s32 v0, v14  }
0x126: {  	s8 =	simm.s32 $0x0;
	v7 =	vld [tilespmem:s0+$0x6410]  }
0x127: {  	v4 =	vmov s8;
	v10 =	vld [tilespmem:s4+$0xFFFFFF90]  }
0x128: {  	v18 =	vand.u32 $0x7E, v4;
	v5 =	vld [tilespmem:s0+$0x6420];
	v6 =	vadd.f32 v6, v9  }
0x129: {  	s10 =	simm.s32 $0x3;
	v11 =	vadd.s32 v0, v18;
	v4 =	vld [tilespmem:s0+$0x6430];
	s0 =	simm.s32 $0xF6F0  }
0x12a: {  	v12 =	vld [tilespmem:s0+$0xFFFFFFD0];
	[tilespmem:v8+s23+$0x0] =	vst.idx.msk $0xffff, v6;
	v6 =	vmov s10  }
0x12b: {  	v6 =	vand.u32 $0x7F, v6;
	v13 =	vld [tilespmem:s4+$0xFFFFFFE0]  }
0x12c: {  	v8 =	vadd.f32 v10, v9;
	v10 =	vadd.s32 v0, v6  }
0x12d: {  	s12 =	simm.s32 $0x2;
	v15 =	vadd.s32 v1, v14  }
0x12e: {  	[tilespmem:v11+s23+$0x0] =	vst.idx.msk $0xffff, v8;
	v8 =	vmov s12;
	v11 =	vld [tilespmem:s0+$0xFFFFFF90]  }
0x12f: {  	v12 =	vadd.f32 v12, v9;
	v8 =	vand.u32 $0x7E, v8;
	v16 =	vld [tilespmem:s4+$0xFFFFFFA0]  }
0x130: {  	s13 =	simm.s32 $0x5;
	s10 =	simm.s32 $0xF770;
	v17 =	vadd.s32 v0, v8;
	v13 =	vadd.f32 v13, v7  }
0x131: {  	v19 =	vld [tilespmem:s10+$0xFFFFFFD0];
	[tilespmem:v10+s23+$0x0] =	vst.idx.msk $0xffff, v12;
	v12 =	vadd.s32 v1, v18;
	v10 =	vmov s13  }
0x132: {  	[tilespmem:v15+s23+$0x0] =	vst.idx.msk $0xffff, v13;
	v10 =	vand.u32 $0x7F, v10;
	v13 =	vld [tilespmem:s0+$0xFFFFFFE0]  }
0x133: {  	v11 =	vadd.f32 v11, v9;
	v15 =	vadd.s32 v0, v10;
	v20 =	vld [tilespmem:s4+$0xFFFFFFF0]  }
0x134: {  	s24 =	simm.s32 $0x4;
	v21 =	vadd.s32 v1, v6;
	v16 =	vadd.f32 v16, v7  }
0x135: {  	v22 =	vadd.s32 v2, v14;
	[tilespmem:v17+s23+$0x0] =	vst.idx.msk $0xffff, v11;
	v11 =	vmov s24;
	v17 =	vld [tilespmem:s10+$0xFFFFFF90]  }
0x136: {  	v11 =	vand.u32 $0x7E, v11;
	[tilespmem:v12+s23+$0x0] =	vst.idx.msk $0xffff, v16;
	v12 =	vadd.f32 v19, v9;
	v16 =	vld [tilespmem:s0+$0xFFFFFFA0]  }
0x137: {  	s25 =	simm.s32 $0x7;
	s12 =	simm.s32 $0xF7F0;
	v19 =	vadd.s32 v0, v11;
	v13 =	vadd.f32 v13, v7;
	v23 =	vld [tilespmem:s4+$0xFFFFFFB0]  }
0x138: {  	v24 =	vld [tilespmem:s12+$0xFFFFFFD0];
	[tilespmem:v15+s23+$0x0] =	vst.idx.msk $0xffff, v12;
	v15 =	vadd.s32 v1, v8;
	v20 =	vadd.f32 v20, v5;
	v12 =	vmov s25  }
0x139: {  	[tilespmem:v21+s23+$0x0] =	vst.idx.msk $0xffff, v13;
	v21 =	vadd.s32 v2, v18;
	v12 =	vand.u32 $0x7F, v12;
	v25 =	vld [tilespmem:s10+$0xFFFFFFE0]  }
0x13a: {  	v13 =	vadd.f32 v17, v9;
	[tilespmem:v22+s23+$0x0] =	vst.idx.msk $0xffff, v20;
	v17 =	vadd.s32 v0, v12;
	v20 =	vld [tilespmem:s0+$0xFFFFFFF0]  }
0x13b: {  	s31 =	simm.s32 $0x6;
	v26 =	vadd.s32 v1, v10;
	v16 =	vadd.f32 v16, v7;
	v27 =	vld [tilespmem:s4+$0x0]  }
0x13c: {  	v28 =	vadd.s32 v2, v6;
	[tilespmem:v19+s23+$0x0] =	vst.idx.msk $0xffff, v13;
	v13 =	vmov s31;
	v19 =	vadd.f32 v23, v5;
	v23 =	vld [tilespmem:s12+$0xFFFFFF90]  }
0x13d: {  	v30 =	vadd.s32 v3, v14;
	v13 =	vand.u32 $0x7E, v13;
	v29 =	vld [tilespmem:s10+$0xFFFFFFA0];
	[tilespmem:v15+s23+$0x0] =	vst.idx.msk $0xffff, v16;
	v16 =	vadd.f32 v24, v9  }
0x13e: {  	[tilespmem:v21+s23+$0x0] =	vst.idx.msk $0xffff, v19;
	v21 =	vadd.s32 v0, v13;
	v14 =	vadd.f32 v25, v7;
	v15 =	vld [tilespmem:s0+$0xFFFFFFB0]  }
0x13f: {  	s8 =	simm.s32 $0x9;
	s6 =	simm.s32 $0xF870;
	v19 =	vadd.s32 v1, v11;
	[tilespmem:v17+s23+$0x0] =	vst.idx.msk $0xffff, v16;
	v20 =	vadd.f32 v20, v5;
	v16 =	vld [tilespmem:s4+$0xFFFFFFC0]  }
0x140: {  	v22 =	vld [tilespmem:s6+$0xFFFFFFD0];
	v24 =	vmov s8;
	v17 =	vadd.s32 v2, v8;
	[tilespmem:v26+s23+$0x0] =	vst.idx.msk $0xffff, v14;
	v27 =	vadd.f32 v27, v4  }
0x141: {  	v18 =	vadd.s32 v3, v18;
	v14 =	vand.u32 $0x7F, v24;
	v26 =	vadd.f32 v23, v9;
	v23 =	vld [tilespmem:s12+$0xFFFFFFE0];
	[tilespmem:v28+s23+$0x0] =	vst.idx.msk $0xffff, v20  }
0x142: {  	s13 =	simm.s32 $0x8;
	s8 =	simm.s32 $0xA;
	s4 =	simm.s32 $0xF870;
	v24 =	vadd.s32 v0, v14;
	v25 =	vadd.f32 v29, v7;
	v20 =	vld [tilespmem:s10+$0xFFFFFFF0];
	[tilespmem:v30+s23+$0x0] =	vst.idx.msk $0xffff, v27  }
.LBB2_15:
0x143: {  	p0 =	slt.u32 s8, $0x7E;
	[tilespmem:v21+s23+$0x0] =	vst.idx.msk $0xffff, v26;
	v26 =	vadd.s32 v1, v12;
	v15 =	vadd.f32 v15, v5;
	v27 =	vld [tilespmem:s0+$0x0];
	v28 =	vmov v11  }
0x144: {  	v21 =	vmov s13;
	v11 =	vmovc v13;
	s13 =	smov.u32 s8;
	v29 =	vld [tilespmem:s6+$0xFFFFFF90];
	[tilespmem:v19+s23+$0x0] =	vst.idx.msk $0xffff, v25;
	v25 =	vadd.s32 v2, v10;
	v16 =	vadd.f32 v16, v4  }
0x145: {  	v31 =	vadd.s32 v3, v6;
	v13 =	vand.u32 $0x7E, v21;
	v19 =	vadd.f32 v22, v9;
	v30 =	vld [tilespmem:s12+$0xFFFFFFA0];
	[tilespmem:v17+s23+$0x0] =	vst.idx.msk $0xffff, v15  }
.Ltmp6:
0x146: {  	v6 =	vmov v10;
	v21 =	vadd.s32 v0, v13;
	v17 =	vadd.f32 v23, v7;
	v15 =	vld [tilespmem:s10+$0xFFFFFFB0];
	[tilespmem:v18+s23+$0x0] =	vst.idx.msk $0xffff, v16;
	(pc) =	sbr.rel @p0 .LBB2_15-.Ltmp6, $4  }
0x147: {  	s24 =	sadd.s32 $0x1, s8;
	s6 =	sadd.s32 $0x80, s6;
	v10 =	vmov v12;
	[tilespmem:v24+s23+$0x0] =	vst.idx.msk $0xffff, v19;
	v19 =	vadd.s32 v1, v11;
	v18 =	vadd.f32 v20, v5;
	v16 =	vld [tilespmem:s0+$0xFFFFFFC0];
	s0 =	smov.u32 s10  }
0x148: {  	v12 =	vmovc v14;
	v20 =	vmov s24;
	s10 =	smov.u32 s12;
	s12 =	smov.u32 s4;
	s4 =	smov.u32 s6;
	v22 =	vld [tilespmem:s6+$0xFFFFFFD0];
	[tilespmem:v26+s23+$0x0] =	vst.idx.msk $0xffff, v17;
	v17 =	vadd.s32 v2, v28;
	v27 =	vadd.f32 v27, v4  }
0x149: {  	v14 =	vand.u32 $0x7F, v20;
	v26 =	vadd.f32 v29, v9;
	v23 =	vld [tilespmem:s12+$0xFFFFFFE0];
	[tilespmem:v25+s23+$0x0] =	vst.idx.msk $0xffff, v18;
	v18 =	vadd.s32 v3, v8  }
0x14a: {  	s8 =	sadd.s32 $0x2, s8;
	v24 =	vadd.s32 v0, v14;
	v8 =	vmov v28;
	v25 =	vadd.f32 v30, v7;
	v20 =	vld [tilespmem:s10+$0xFFFFFFF0];
	[tilespmem:v31+s23+$0x0] =	vst.idx.msk $0xffff, v27  }
0x14b: {  	v27 =	vmov s13;
	v28 =	vld [tilespmem:s6+$0xFFFFFF90]  }
0x14c: {  	v27 =	vand.u32 $0x7E, v27  }
0x14d: {  	v29 =	vadd.s32 v0, v27;
	_ =	sdelay $0x1  }
0x14e: {  	v22 =	vadd.f32 v22, v9  }
0x14f: {  	[tilespmem:v21+s23+$0x0] =	vst.idx.msk $0xffff, v26;
	v57 =	vadd.f32 v28, v9  }
0x150: {  	v21 =	vld [tilespmem:s12+$0xFFFFFFA0];
	[tilespmem:v24+s23+$0x0] =	vst.idx.msk $0xffff, v22  }
0x151: {  	v58 =	vadd.s32 v1, v12;
	v24 =	vld [tilespmem:s4+$0xFFFFFFE0];
	[tilespmem:v29+s23+$0x0] =	vst.idx.msk $0xffff, v57  }
0x152: {  	v59 =	vadd.s32 v1, v13;
	v60 =	vld [tilespmem:s4+$0xFFFFFFA0]  }
0x153: {  	v61 =	vadd.s32 v1, v14  }
0x154: {  	v62 =	vadd.s32 v1, v27;
	v23 =	vadd.f32 v23, v7  }
0x155: {  	[tilespmem:v19+s23+$0x0] =	vst.idx.msk $0xffff, v25;
	v63 =	vadd.f32 v21, v7  }
0x156: {  	v30 =	vld [tilespmem:s10+$0xFFFFFFB0];
	[tilespmem:v58+s23+$0x0] =	vst.idx.msk $0xffff, v23;
	v31 =	vadd.f32 v24, v7  }
0x157: {  	v32 =	vadd.s32 v2, v10;
	v33 =	vld [tilespmem:s12+$0xFFFFFFF0];
	[tilespmem:v59+s23+$0x0] =	vst.idx.msk $0xffff, v63;
	v34 =	vadd.f32 v60, v7  }
0x158: {  	v35 =	vadd.f32 v15, v5;
	v36 =	vadd.s32 v2, v11;
	v19 =	vld [tilespmem:s12+$0xFFFFFFB0];
	[tilespmem:v61+s23+$0x0] =	vst.idx.msk $0xffff, v31  }
0x159: {  	v37 =	vadd.s32 v2, v12;
	v16 =	vadd.f32 v16, v4;
	v38 =	vld [tilespmem:s4+$0xFFFFFFF0];
	[tilespmem:v62+s23+$0x0] =	vst.idx.msk $0xffff, v34  }
0x15a: {  	v40 =	vadd.s32 v2, v13;
	[tilespmem:v17+s23+$0x0] =	vst.idx.msk $0xffff, v35;
	v39 =	vadd.f32 v20, v5;
	v41 =	vld [tilespmem:s4+$0xFFFFFFB0]  }
0x15b: {  	v42 =	vld [tilespmem:s0+$0x0];
	v44 =	vadd.s32 v2, v14;
	[tilespmem:v18+s23+$0x0] =	vst.idx.msk $0xffff, v16;
	v43 =	vadd.f32 v30, v5  }
0x15c: {  	v47 =	vadd.s32 v2, v27;
	v45 =	vld [tilespmem:s0+$0xFFFFFFC0];
	[tilespmem:v32+s23+$0x0] =	vst.idx.msk $0xffff, v39;
	v46 =	vadd.f32 v33, v5  }
0x15d: {  	v6 =	vadd.s32 v3, v6;
	v48 =	vld [tilespmem:s10+$0x0];
	[tilespmem:v36+s23+$0x0] =	vst.idx.msk $0xffff, v43;
	v49 =	vadd.f32 v19, v5  }
0x15e: {  	v8 =	vadd.s32 v3, v8;
	v16 =	vld [tilespmem:s10+$0xFFFFFFC0];
	[tilespmem:v37+s23+$0x0] =	vst.idx.msk $0xffff, v46;
	v50 =	vadd.f32 v38, v5  }
0x15f: {  	v51 =	vadd.s32 v3, v10;
	v52 =	vld [tilespmem:s12+$0x0];
	[tilespmem:v40+s23+$0x0] =	vst.idx.msk $0xffff, v49;
	v5 =	vadd.f32 v41, v5  }
0x160: {  	v54 =	vadd.s32 v3, v11;
	v53 =	vadd.f32 v42, v4;
	v15 =	vld [tilespmem:s12+$0xFFFFFFC0];
	[tilespmem:v44+s23+$0x0] =	vst.idx.msk $0xffff, v50  }
0x161: {  	v56 =	vadd.s32 v3, v12;
	v55 =	vadd.f32 v45, v4;
	v57 =	vld [tilespmem:s4+$0x0];
	[tilespmem:v47+s23+$0x0] =	vst.idx.msk $0xffff, v5  }
0x162: {  	v58 =	vadd.s32 v3, v13;
	[tilespmem:v6+s23+$0x0] =	vst.idx.msk $0xffff, v53;
	v5 =	vadd.f32 v48, v4;
	v59 =	vld [tilespmem:s4+$0xFFFFFFC0]  }
0x163: {  	[tilespmem:v8+s23+$0x0] =	vst.idx.msk $0xffff, v55;
	v61 =	vadd.s32 v3, v14;
	v60 =	vadd.f32 v16, v4  }
0x164: {  	v62 =	vadd.s32 v3, v27;
	[tilespmem:v51+s23+$0x0] =	vst.idx.msk $0xffff, v5;
	v5 =	vadd.f32 v52, v4  }
0x165: {  	s31 =	sshll.u32 s1, $0x12;
	[tilespmem:v54+s23+$0x0] =	vst.idx.msk $0xffff, v60;
	v63 =	vadd.f32 v15, v4  }
0x166: {  	s0 =	sor.u32 s7, s31;
	[tilespmem:v56+s23+$0x0] =	vst.idx.msk $0xffff, v5;
	v5 =	vadd.f32 v57, v4  }
0x167: {  	s0 =	sshrl.u32 s0, $0x3;
	[tilespmem:v58+s23+$0x0] =	vst.idx.msk $0xffff, v63;
	v4 =	vadd.f32 v59, v4  }
0x168: {  	s1 =	simm.s32 $0x17C00;
	s0 =	sadd.s32 s5, s0;
	[tilespmem:v61+s23+$0x0] =	vst.idx.msk $0xffff, v5  }
0x169: {  	s6 =	simm.s32 $0x17C88;
	s8 =	sadd.s32 $0x0, s0;
	s4 =	simm.s32 $0x200;
	[tilespmem:v62+s23+$0x0] =	vst.idx.msk $0xffff, v4  }
.LBB2_17:
0x16a: {  	[hbm4b:s8+s2] =	stream.linear.scatter [tilespmem:s1], [sflag:$0x8], $0x80, $0x38;
	[tilespmem:$0x19E00] =	vst v63  }
0x16b: {  	s8 =	smov.u32 s4;
	s1 =	smov.u32 s6;
	p0 =	sne.s32 s4, $0x7E00  }
.Ltmp7:
0x16c: {  	s4 =	sadd.s32 $0x200, s4;
	(pc) =	sbr.rel @p0 .LBB2_17-.Ltmp7, $2  }
0x16d: {  	_ =	sdelay $0x2  }
0x16e: {  	s6 =	sadd.s32 $0x88, s6;
	s8 =	sadd.s32 s8, s0  }
0x16f: {  	s30 =	sadd.s32 $0x1, s30  }
0x170: {  	p0 =	sne.s32 s30, $0x32  }
.Ltmp8:
0x171: {  	_ = 	snop;
	(pc) =	sbr.rel @p0 .LBB2_2-.Ltmp8, $2  }
0x172: {  	_ =	sdelay $0x2  }
0x173: {  	[hbm4b:s8+s2] =	stream.linear.scatter [tilespmem:s1], [sflag:$0x8], $0x80, $0x38;
	[tilespmem:$0x19E00] =	vst v63  }
0x174: {  	s0 =	simm.s32 $0x5  }
0x175: {  	_ =	swait.ge [sflag:s0], $0x2000  }
0x176: {  	[sflag:s0] =	ssyncset.done $0x0  }
0x177: {  	s30 =	simm.s32 $0x6;
	[sflag:s0] =	ssyncadd.s32 $0xFFFFE000  }
0x178: {  	_ =	swait.ge [sflag:s30], $0x2000  }
0x179: {  	[sflag:s30] =	ssyncset.done $0x0  }
0x17a: {  	[sflag:s30] =	ssyncadd.s32 $0xFFFFE000  }
0x17b: {  	_ =	swait.ge [sflag:s26], $0x2000  }
0x17c: {  	[sflag:s26] =	ssyncset.done $0x0  }
0x17d: {  	[sflag:s26] =	ssyncadd.s32 $0xFFFFE000  }
0x17e: {  	_ =	swait.ge [sflag:s28], $0x2000  }
0x17f: {  	s29 =	sadd.s32 $0x1, s29;
	s31 =	rddreg [dreg:$0x4]  }
0x180: {  	p0 =	sne.s32 s29, s31  }
.Ltmp9:
0x181: {  	_ = 	snop;
	(pc) =	sbr.rel @p0 .LBB2_1-.Ltmp9, $3  }
0x182: {  	_ =	sdelay $0x1  }
0x183: {  	[sflag:s28] =	ssyncset.done $0x0  }
0x184: {  	[sflag:s28] =	ssyncadd.s32 $0xFFFFE000  }
0x185: {  	_ =	sfence.sel $0x180000  }
0x186: {  	[bflag:$0x0] =	sbarrier.arrive $0xFFFF  }
0x187: {  	_ =	strace $0x90000047  }
0x188: {  	s0 =	stileid.u32;
	[bflag:$0x2] =	sbarrier.arrive $0xFFFF  }
0x189: {  	p0 =	sne.s32 s0, $0x0;
	s0 =	rddreg [dreg:$0x1]  }
0x18a: {  	s0 =	sadd.s32 @!p0 $0x100000, s0  }
0x18b: {  	[sflag:s0] =	ssyncadd.tile.s32 @!p0 $0x1;
	_ =	shalt  }
.Lfunc_end2:
_tile_overlayer_lowered:
.L_overlay_start_2:
0x18c: {  	(tag) =	ssettag $0x2  }
0x18d: {  	s0 =	rddreg [dreg:$0x0];
	s2 =	stileid.u32  }
0x18e: {  	s1 =	rddreg [dreg:$0x1];
	p0 =	sne.s32 s2, $0x0  }
0x18f: {  	s3 =	rddreg [dreg:$0x2];
	[bflag:$0x3] =	sbarrier.arrive $0xFFFF;
	s2 =	simm.s32 @!p0 $0x1C09  }
0x190: {  	[timem:s3], [sflag:s2] =	dma.local @!p0 [hbm:s0], s1  }
0x191: {  	s0 =	simm.s32 @!p0 $0x9  }
0x192: {  	_ =	swait.ge @!p0 [sflag:s0], s1  }
0x193: {  	s1 =	ssub.s32 @!p0 $0x0, s1;
	[sflag:s0] =	ssyncset.done @!p0 $0x0  }
0x194: {  	[sflag:s0] =	ssyncadd.s32 @!p0 s1  }
0x195: {  	[bflag:$0x3] =	sbarrier.arrive $0xFFFF  }
0x196: {  	_ =	shalt  }

</sc_bundles>
